<compile_context>
chip_gen: v7x
topology: tpu7x:2x2x1
jax: 0.10.2.dev20260603
libtpu: 0.0.44.dev20260713+nightly
codegen_flags: <defaults>
</compile_context>

<pallas_src>
import functools

import jax
import jax.numpy as jnp
from jax import lax
from jax.experimental import pallas as pl
from jax.experimental.pallas import tpu as pltpu
from jax.experimental.pallas import tpu_sc as plsc

R0, R1 = 0.08, 0.16
K0, K1 = 16, 32
N = 16384
M = 2048
C = 64
NC, NS = 2, 16
NW = NC * NS
QPW = M // NW
L = 16


def _sc_group_pool(xs, ys, zs, qx, qy, qz, qstart, qend, features):
    mesh = plsc.VectorSubcoreMesh(core_axis_name="c", subcore_axis_name="s")

    @functools.partial(
        pl.kernel,
        out_type=jax.ShapeDtypeStruct((M * 2 * C,), jnp.float32),
        mesh=mesh,
        compiler_params=pltpu.CompilerParams(
            needs_layout_passes=False, use_tc_tiling_on_sc=False),
        scratch_types=[
            pltpu.VMEM((N,), jnp.float32),
            pltpu.VMEM((N,), jnp.float32),
            pltpu.VMEM((N,), jnp.float32),
            pltpu.VMEM((QPW + L,), jnp.float32),
            pltpu.VMEM((QPW + L,), jnp.float32),
            pltpu.VMEM((QPW + L,), jnp.float32),
            pltpu.VMEM((QPW + L,), jnp.int32),
            pltpu.VMEM((QPW + L,), jnp.int32),
            pltpu.VMEM((K0,), jnp.int32),
            pltpu.VMEM((K1,), jnp.int32),
            pltpu.VMEM((K0, C), jnp.float32),
            pltpu.VMEM((K1, C), jnp.float32),
            pltpu.VMEM((QPW * 2 * C,), jnp.float32),
            pltpu.SemaphoreType.DMA,
            pltpu.SemaphoreType.DMA,
        ],
    )
    def grouper(xs_h, ys_h, zs_h, qx_h, qy_h, qz_h, qs_h, qe_h, feat_h,
                out_h, cx, cy, cz, qxv, qyv, qzv, qsv, qev,
                idx0, idx1, rows0, rows1, outbuf, sem0, sem1):
        wid = lax.axis_index("s") * NC + lax.axis_index("c")
        base = wid * QPW

        pltpu.sync_copy(xs_h, cx)
        pltpu.sync_copy(ys_h, cy)
        pltpu.sync_copy(zs_h, cz)
        pltpu.sync_copy(qx_h.at[pl.ds(base, QPW)], qxv.at[pl.ds(0, QPW)])
        pltpu.sync_copy(qy_h.at[pl.ds(base, QPW)], qyv.at[pl.ds(0, QPW)])
        pltpu.sync_copy(qz_h.at[pl.ds(base, QPW)], qzv.at[pl.ds(0, QPW)])
        pltpu.sync_copy(qs_h.at[pl.ds(base, QPW)], qsv.at[pl.ds(0, QPW)])
        pltpu.sync_copy(qe_h.at[pl.ds(base, QPW)], qev.at[pl.ds(0, QPW)])

        iota = lax.iota(jnp.int32, L)
        zeros_i = jnp.zeros((L,), jnp.int32)
        r0sq = jnp.float32(R0 * R0)
        r1sq = jnp.float32(R1 * R1)

        def per_query(m, _):
            qxs = jnp.full((L,), qxv[pl.ds(m, L)][0], jnp.float32)
            qys = jnp.full((L,), qyv[pl.ds(m, L)][0], jnp.float32)
            qzs = jnp.full((L,), qzv[pl.ds(m, L)][0], jnp.float32)
            qs = qsv[pl.ds(m, L)][0]
            qe = qev[pl.ds(m, L)][0]
            qs_v = jnp.full((L,), qs, jnp.int32)
            qe_v = jnp.full((L,), qe, jnp.int32)
            v0 = qs // L
            v1 = (qe + (L - 1)) // L

            def scan_cond(carry):
                v, giv, c0v, c1v = carry
                return (v < v1) & ((c0v[0] < K0) | (c1v[0] < K1))

            def scan_step(carry):
                v, giv, c0v, c1v = carry
                bi = v * L
                xv = cx[pl.ds(bi, L)]
                yv = cy[pl.ds(bi, L)]
                zv = cz[pl.ds(bi, L)]
                dx = xv - qxs
                dy = yv - qys
                dz = zv - qzs
                d2 = dx * dx + dy * dy + dz * dz
                valid = (giv >= qs_v) & (giv < qe_v)
                hit1 = (d2 < r1sq) & valid
                hit0 = (d2 < r0sq) & valid
                inc1 = jnp.cumsum(hit1.astype(jnp.int32))
                inc0 = jnp.cumsum(hit0.astype(jnp.int32))
                p1 = c1v + inc1 - 1
                p0 = c0v + inc0 - 1
                plsc.store_scatter(idx1, [p1], giv, mask=hit1 & (p1 < K1))
                plsc.store_scatter(idx0, [p0], giv, mask=hit0 & (p0 < K0))
                pc1 = plsc.all_reduce_population_count(hit1)
                pc0 = plsc.all_reduce_population_count(hit0)
                return v + 1, giv + L, c0v + pc0, c1v + pc1

            giv0 = v0 * L + iota
            _v, _giv, c0v, c1v = lax.while_loop(
                scan_cond, scan_step, (v0, giv0, zeros_i, zeros_i))

            first0 = jnp.full((L,), idx0[pl.ds(0, L)][0], jnp.int32)
            first0 = jnp.where(c0v > 0, first0, 0)
            cl0 = jnp.minimum(c0v, K0)
            cur0 = idx0[pl.ds(0, L)]
            idx0[pl.ds(0, L)] = jnp.where(iota >= cl0, first0, cur0)

            first1 = jnp.full((L,), idx1[pl.ds(0, L)][0], jnp.int32)
            first1 = jnp.where(c1v > 0, first1, 0)
            cl1 = jnp.minimum(c1v, K1)
            for h in range(K1 // L):
                cur1 = idx1[pl.ds(h * L, L)]
                pos = iota + (h * L)
                idx1[pl.ds(h * L, L)] = jnp.where(pos >= cl1, first1, cur1)

            cp0 = pltpu.async_copy(feat_h.at[idx0], rows0, sem0)
            cp1 = pltpu.async_copy(feat_h.at[idx1], rows1, sem1)
            cp0.wait()
            cp1.wait()

            nz0 = c0v > 0
            nz1 = c1v > 0
            obase = m * (2 * C)
            for c in range(C // L):
                acc = rows0[0, pl.ds(c * L, L)]
                for k in range(1, K0):
                    acc = jnp.maximum(acc, rows0[k, pl.ds(c * L, L)])
                outbuf[pl.ds(obase + c * L, L)] = jnp.where(nz0, acc, 0.0)
            for c in range(C // L):
                acc = rows1[0, pl.ds(c * L, L)]
                for k in range(1, K1):
                    acc = jnp.maximum(acc, rows1[k, pl.ds(c * L, L)])
                outbuf[pl.ds(C + obase + c * L, L)] = jnp.where(nz1, acc, 0.0)
            return _

        lax.fori_loop(0, QPW, per_query, 0)
        pltpu.sync_copy(outbuf, out_h.at[pl.ds(base * 2 * C, QPW * 2 * C)])

    return grouper(xs, ys, zs, qx, qy, qz, qstart, qend, features)


def kernel(xyz, xyz_batch_cnt, new_xyz, new_xyz_batch_cnt, features):
    xs = xyz[:, 0]
    ys = xyz[:, 1]
    zs = xyz[:, 2]
    qx = new_xyz[:, 0]
    qy = new_xyz[:, 1]
    qz = new_xyz[:, 2]
    ends = jnp.cumsum(xyz_batch_cnt.astype(jnp.int32))
    starts = ends - xyz_batch_cnt.astype(jnp.int32)
    bid_q = jnp.repeat(
        jnp.arange(new_xyz_batch_cnt.shape[0], dtype=jnp.int32),
        new_xyz_batch_cnt, total_repeat_length=M)
    qstart = starts[bid_q]
    qend = ends[bid_q]
    out = _sc_group_pool(xs, ys, zs, qx, qy, qz, qstart, qend, features)
    return new_xyz, out.reshape(M, 2 * C)

# --- scband reference (transcript-rebuilt; emitter-appended) ---
"""Pipeline reference for scband-stack-point-feature-24893630447961 (READ-ONLY COPY).

The authoritative reference and input builder live on the scoring server;
editing this copy changes nothing except your own understanding.
"""

import jax, jax.numpy as jnp
import numpy as np

RADII = (0.08, 0.16)
NSAMPLES = (16, 32)


def _batch_ids(cnt, total):
    return jnp.repeat(jnp.arange(cnt.shape[0], dtype=jnp.int32), cnt, total_repeat_length=total)


def _ball_query(radius, nsample, xyz, new_xyz, bid_xyz, bid_new):
    # stack ball_query semantics: for each new_xyz point, take the first `nsample`
    # points (in index order) of the same batch element with squared distance < r^2.
    # Unfilled slots are replicated with the first found index; if none found,
    # idx = 0 and the row is flagged empty (features later zeroed).
    N = xyz.shape[0]
    d2 = jnp.sum((new_xyz[:, None, :] - xyz[None, :, :]) ** 2, axis=-1)  # (M, N)
    within = (d2 < radius * radius) & (bid_new[:, None] == bid_xyz[None, :])
    cand = jnp.where(within, jnp.arange(N, dtype=jnp.int32), jnp.int32(N))
    topv, _ = jax.lax.top_k(-cand, nsample)  # smallest candidate indices, in order
    idx = -topv  # (M, nsample)
    valid = idx < N
    empty = ~valid[:, 0]
    first = idx[:, :1]
    idx = jnp.where(valid, idx, first)
    idx = jnp.where(empty[:, None], 0, idx)
    return idx, empty


def setup_inputs(seed: int = 0) -> dict:
    key = jax.random.key(seed)
    k1, k2, k3 = jax.random.split(key, 3)
    xyz = jax.random.uniform(k1, (16384, 3), dtype=jnp.float32)
    new_xyz = jax.random.uniform(k2, (2048, 3), dtype=jnp.float32)
    features = jax.random.normal(k3, (16384, 64), dtype=jnp.float32)
    xyz_batch_cnt = jnp.array([8192, 8192], dtype=jnp.int32)
    new_xyz_batch_cnt = jnp.array([1024, 1024], dtype=jnp.int32)
    return {
        "xyz": xyz,
        "xyz_batch_cnt": xyz_batch_cnt,
        "new_xyz": new_xyz,
        "new_xyz_batch_cnt": new_xyz_batch_cnt,
        "features": features,
    }


def reference(xyz, xyz_batch_cnt, new_xyz, new_xyz_batch_cnt, features):
    bid_xyz = _batch_ids(xyz_batch_cnt, xyz.shape[0])
    bid_new = _batch_ids(new_xyz_batch_cnt, new_xyz.shape[0])
    new_features_list = []
    for radius, nsample in zip(RADII, NSAMPLES):
        idx, empty = _ball_query(radius, nsample, xyz, new_xyz, bid_xyz, bid_new)
        # grouping_operation: gather features -> (M, nsample, C)
        grouped = jnp.take(features, idx, axis=0)
        # use_xyz=False, so new_features == grouped_features; empty balls zeroed
        grouped = jnp.where(empty[:, None, None], 0.0, grouped)
        # max_pool2d over the nsample dimension -> (M, C)
        pooled = jnp.max(grouped, axis=1)
        new_features_list.append(pooled)
    new_features = jnp.concatenate(new_features_list, axis=1)  # (M, 128)
    return new_xyz, new_features

if __name__ == "__main__":
    import jax
    _d = setup_inputs()
    print(jax.jit(kernel)(*tuple(_d.values())))

</pallas_src>

<mosaic_0001>
#map = affine_map<(d0, d1) -> (0)>
#map1 = affine_map<(d0, d1) -> (0, 0)>
module attributes {stable_mosaic.version = 14 : i64} {
  func.func @grouper(%arg0: i32, %arg1: i32, %arg2: memref<16384xf32, #tpu.memory_space<hbm>>, %arg3: memref<16384xf32, #tpu.memory_space<hbm>>, %arg4: memref<16384xf32, #tpu.memory_space<hbm>>, %arg5: memref<2048xf32, #tpu.memory_space<hbm>>, %arg6: memref<2048xf32, #tpu.memory_space<hbm>>, %arg7: memref<2048xf32, #tpu.memory_space<hbm>>, %arg8: memref<2048xi32, #tpu.memory_space<hbm>>, %arg9: memref<2048xi32, #tpu.memory_space<hbm>>, %arg10: memref<16384x64xf32, #tpu.memory_space<hbm>>, %arg11: memref<262144xf32, #tpu.memory_space<hbm>>, %arg12: memref<16384xf32, #tpu.memory_space<vmem>>, %arg13: memref<16384xf32, #tpu.memory_space<vmem>>, %arg14: memref<16384xf32, #tpu.memory_space<vmem>>, %arg15: memref<80xf32, #tpu.memory_space<vmem>>, %arg16: memref<80xf32, #tpu.memory_space<vmem>>, %arg17: memref<80xf32, #tpu.memory_space<vmem>>, %arg18: memref<80xi32, #tpu.memory_space<vmem>>, %arg19: memref<80xi32, #tpu.memory_space<vmem>>, %arg20: memref<16xi32, #tpu.memory_space<vmem>>, %arg21: memref<32xi32, #tpu.memory_space<vmem>>, %arg22: memref<16x64xf32, #tpu.memory_space<vmem>>, %arg23: memref<32x64xf32, #tpu.memory_space<vmem>>, %arg24: memref<8192xf32, #tpu.memory_space<vmem>>, %arg25: memref<!tpu.dma_semaphore, #tpu.memory_space<semaphore_mem>>, %arg26: memref<!tpu.dma_semaphore, #tpu.memory_space<semaphore_mem>>) attributes {dimension_semantics = [#tpu.dimension_semantics<core_parallel>, #tpu.dimension_semantics<subcore_parallel>], iteration_bounds = array<i64: 2, 16>, scalar_prefetch = 0 : i64, scratch_operands = 15 : i64, tpu.core_type = #tpu.core_type<sc_vector_subcore>, window_params = [{transform_indices = #map}, {transform_indices = #map}, {transform_indices = #map}, {transform_indices = #map}, {transform_indices = #map}, {transform_indices = #map}, {transform_indices = #map}, {transform_indices = #map}, {transform_indices = #map1}, {transform_indices = #map}]} {
    %mul3A = arith.constant 2 : i32
    %mul3A_0 = arith.muli %arg1, %mul3A : i32
    %add3A = arith.addi %mul3A_0, %arg0 : i32
    %mul3A_1 = arith.constant 64 : i32
    %mul3A_2 = arith.muli %add3A, %mul3A_1 : i32
    "tpu.region"() ({
      %run_scoped3A = tpu.sem_alloc : memref<!tpu.dma_semaphore, #tpu.memory_space<semaphore_mem>>
      tpu.enqueue_dma source(%arg2 : memref<16384xf32, #tpu.memory_space<hbm>>) target(%arg12 : memref<16384xf32, #tpu.memory_space<vmem>>) target_semaphore(%run_scoped3A : memref<!tpu.dma_semaphore, #tpu.memory_space<semaphore_mem>>)
      tpu.wait_dma2 semaphore(%run_scoped3A : memref<!tpu.dma_semaphore, #tpu.memory_space<semaphore_mem>>) src(%arg2 : memref<16384xf32, #tpu.memory_space<hbm>>) dst(%arg12 : memref<16384xf32, #tpu.memory_space<vmem>>)
      tpu.yield
    }) : () -> ()
    "tpu.region"() ({
      %run_scoped3A = tpu.sem_alloc : memref<!tpu.dma_semaphore, #tpu.memory_space<semaphore_mem>>
      tpu.enqueue_dma source(%arg3 : memref<16384xf32, #tpu.memory_space<hbm>>) target(%arg13 : memref<16384xf32, #tpu.memory_space<vmem>>) target_semaphore(%run_scoped3A : memref<!tpu.dma_semaphore, #tpu.memory_space<semaphore_mem>>)
      tpu.wait_dma2 semaphore(%run_scoped3A : memref<!tpu.dma_semaphore, #tpu.memory_space<semaphore_mem>>) src(%arg3 : memref<16384xf32, #tpu.memory_space<hbm>>) dst(%arg13 : memref<16384xf32, #tpu.memory_space<vmem>>)
      tpu.yield
    }) : () -> ()
    "tpu.region"() ({
      %run_scoped3A = tpu.sem_alloc : memref<!tpu.dma_semaphore, #tpu.memory_space<semaphore_mem>>
      tpu.enqueue_dma source(%arg4 : memref<16384xf32, #tpu.memory_space<hbm>>) target(%arg14 : memref<16384xf32, #tpu.memory_space<vmem>>) target_semaphore(%run_scoped3A : memref<!tpu.dma_semaphore, #tpu.memory_space<semaphore_mem>>)
      tpu.wait_dma2 semaphore(%run_scoped3A : memref<!tpu.dma_semaphore, #tpu.memory_space<semaphore_mem>>) src(%arg4 : memref<16384xf32, #tpu.memory_space<hbm>>) dst(%arg14 : memref<16384xf32, #tpu.memory_space<vmem>>)
      tpu.yield
    }) : () -> ()
    "tpu.region"() ({
      %run_scoped3A = tpu.sem_alloc : memref<!tpu.dma_semaphore, #tpu.memory_space<semaphore_mem>>
      %dma_start3A = arith.constant 0 : i32
      %dma_start3A_15 = tpu.memref_slice %arg15[%dma_start3A] : memref<80xf32, #tpu.memory_space<vmem>> -> memref<64xf32, #tpu.memory_space<vmem>>
      %dma_start3A_16 = tpu.memref_slice %arg5[%mul3A_2] : memref<2048xf32, #tpu.memory_space<hbm>> -> memref<64xf32, #tpu.memory_space<hbm>>
      %dma_start3A_17 = arith.constant 0 : i32
      %dma_start3A_18 = tpu.memref_slice %arg15[%dma_start3A_17] : memref<80xf32, #tpu.memory_space<vmem>> -> memref<64xf32, #tpu.memory_space<vmem>>
      %dma_start3A_19 = tpu.memref_slice %arg5[%mul3A_2] : memref<2048xf32, #tpu.memory_space<hbm>> -> memref<64xf32, #tpu.memory_space<hbm>>
      tpu.enqueue_dma source(%dma_start3A_19 : memref<64xf32, #tpu.memory_space<hbm>>) target(%dma_start3A_18 : memref<64xf32, #tpu.memory_space<vmem>>) target_semaphore(%run_scoped3A : memref<!tpu.dma_semaphore, #tpu.memory_space<semaphore_mem>>)
      %dma_wait3A = arith.constant 0 : i32
      %dma_wait3A_20 = tpu.memref_slice %arg15[%dma_wait3A] : memref<80xf32, #tpu.memory_space<vmem>> -> memref<64xf32, #tpu.memory_space<vmem>>
      %dma_wait3A_21 = tpu.memref_slice %arg5[%mul3A_2] : memref<2048xf32, #tpu.memory_space<hbm>> -> memref<64xf32, #tpu.memory_space<hbm>>
      %dma_wait3A_22 = arith.constant 0 : i32
      %dma_wait3A_23 = tpu.memref_slice %arg15[%dma_wait3A_22] : memref<80xf32, #tpu.memory_space<vmem>> -> memref<64xf32, #tpu.memory_space<vmem>>
      %dma_wait3A_24 = tpu.memref_slice %arg5[%mul3A_2] : memref<2048xf32, #tpu.memory_space<hbm>> -> memref<64xf32, #tpu.memory_space<hbm>>
      tpu.wait_dma2 semaphore(%run_scoped3A : memref<!tpu.dma_semaphore, #tpu.memory_space<semaphore_mem>>) src(%dma_wait3A_24 : memref<64xf32, #tpu.memory_space<hbm>>) dst(%dma_wait3A_23 : memref<64xf32, #tpu.memory_space<vmem>>)
      tpu.yield
    }) : () -> ()
    "tpu.region"() ({
      %run_scoped3A = tpu.sem_alloc : memref<!tpu.dma_semaphore, #tpu.memory_space<semaphore_mem>>
      %dma_start3A = arith.constant 0 : i32
      %dma_start3A_15 = tpu.memref_slice %arg16[%dma_start3A] : memref<80xf32, #tpu.memory_space<vmem>> -> memref<64xf32, #tpu.memory_space<vmem>>
      %dma_start3A_16 = tpu.memref_slice %arg6[%mul3A_2] : memref<2048xf32, #tpu.memory_space<hbm>> -> memref<64xf32, #tpu.memory_space<hbm>>
      %dma_start3A_17 = arith.constant 0 : i32
      %dma_start3A_18 = tpu.memref_slice %arg16[%dma_start3A_17] : memref<80xf32, #tpu.memory_space<vmem>> -> memref<64xf32, #tpu.memory_space<vmem>>
      %dma_start3A_19 = tpu.memref_slice %arg6[%mul3A_2] : memref<2048xf32, #tpu.memory_space<hbm>> -> memref<64xf32, #tpu.memory_space<hbm>>
      tpu.enqueue_dma source(%dma_start3A_19 : memref<64xf32, #tpu.memory_space<hbm>>) target(%dma_start3A_18 : memref<64xf32, #tpu.memory_space<vmem>>) target_semaphore(%run_scoped3A : memref<!tpu.dma_semaphore, #tpu.memory_space<semaphore_mem>>)
      %dma_wait3A = arith.constant 0 : i32
      %dma_wait3A_20 = tpu.memref_slice %arg16[%dma_wait3A] : memref<80xf32, #tpu.memory_space<vmem>> -> memref<64xf32, #tpu.memory_space<vmem>>
      %dma_wait3A_21 = tpu.memref_slice %arg6[%mul3A_2] : memref<2048xf32, #tpu.memory_space<hbm>> -> memref<64xf32, #tpu.memory_space<hbm>>
      %dma_wait3A_22 = arith.constant 0 : i32
      %dma_wait3A_23 = tpu.memref_slice %arg16[%dma_wait3A_22] : memref<80xf32, #tpu.memory_space<vmem>> -> memref<64xf32, #tpu.memory_space<vmem>>
      %dma_wait3A_24 = tpu.memref_slice %arg6[%mul3A_2] : memref<2048xf32, #tpu.memory_space<hbm>> -> memref<64xf32, #tpu.memory_space<hbm>>
      tpu.wait_dma2 semaphore(%run_scoped3A : memref<!tpu.dma_semaphore, #tpu.memory_space<semaphore_mem>>) src(%dma_wait3A_24 : memref<64xf32, #tpu.memory_space<hbm>>) dst(%dma_wait3A_23 : memref<64xf32, #tpu.memory_space<vmem>>)
      tpu.yield
    }) : () -> ()
    "tpu.region"() ({
      %run_scoped3A = tpu.sem_alloc : memref<!tpu.dma_semaphore, #tpu.memory_space<semaphore_mem>>
      %dma_start3A = arith.constant 0 : i32
      %dma_start3A_15 = tpu.memref_slice %arg17[%dma_start3A] : memref<80xf32, #tpu.memory_space<vmem>> -> memref<64xf32, #tpu.memory_space<vmem>>
      %dma_start3A_16 = tpu.memref_slice %arg7[%mul3A_2] : memref<2048xf32, #tpu.memory_space<hbm>> -> memref<64xf32, #tpu.memory_space<hbm>>
      %dma_start3A_17 = arith.constant 0 : i32
      %dma_start3A_18 = tpu.memref_slice %arg17[%dma_start3A_17] : memref<80xf32, #tpu.memory_space<vmem>> -> memref<64xf32, #tpu.memory_space<vmem>>
      %dma_start3A_19 = tpu.memref_slice %arg7[%mul3A_2] : memref<2048xf32, #tpu.memory_space<hbm>> -> memref<64xf32, #tpu.memory_space<hbm>>
      tpu.enqueue_dma source(%dma_start3A_19 : memref<64xf32, #tpu.memory_space<hbm>>) target(%dma_start3A_18 : memref<64xf32, #tpu.memory_space<vmem>>) target_semaphore(%run_scoped3A : memref<!tpu.dma_semaphore, #tpu.memory_space<semaphore_mem>>)
      %dma_wait3A = arith.constant 0 : i32
      %dma_wait3A_20 = tpu.memref_slice %arg17[%dma_wait3A] : memref<80xf32, #tpu.memory_space<vmem>> -> memref<64xf32, #tpu.memory_space<vmem>>
      %dma_wait3A_21 = tpu.memref_slice %arg7[%mul3A_2] : memref<2048xf32, #tpu.memory_space<hbm>> -> memref<64xf32, #tpu.memory_space<hbm>>
      %dma_wait3A_22 = arith.constant 0 : i32
      %dma_wait3A_23 = tpu.memref_slice %arg17[%dma_wait3A_22] : memref<80xf32, #tpu.memory_space<vmem>> -> memref<64xf32, #tpu.memory_space<vmem>>
      %dma_wait3A_24 = tpu.memref_slice %arg7[%mul3A_2] : memref<2048xf32, #tpu.memory_space<hbm>> -> memref<64xf32, #tpu.memory_space<hbm>>
      tpu.wait_dma2 semaphore(%run_scoped3A : memref<!tpu.dma_semaphore, #tpu.memory_space<semaphore_mem>>) src(%dma_wait3A_24 : memref<64xf32, #tpu.memory_space<hbm>>) dst(%dma_wait3A_23 : memref<64xf32, #tpu.memory_space<vmem>>)
      tpu.yield
    }) : () -> ()
    "tpu.region"() ({
      %run_scoped3A = tpu.sem_alloc : memref<!tpu.dma_semaphore, #tpu.memory_space<semaphore_mem>>
      %dma_start3A = arith.constant 0 : i32
      %dma_start3A_15 = tpu.memref_slice %arg18[%dma_start3A] : memref<80xi32, #tpu.memory_space<vmem>> -> memref<64xi32, #tpu.memory_space<vmem>>
      %dma_start3A_16 = tpu.memref_slice %arg8[%mul3A_2] : memref<2048xi32, #tpu.memory_space<hbm>> -> memref<64xi32, #tpu.memory_space<hbm>>
      %dma_start3A_17 = arith.constant 0 : i32
      %dma_start3A_18 = tpu.memref_slice %arg18[%dma_start3A_17] : memref<80xi32, #tpu.memory_space<vmem>> -> memref<64xi32, #tpu.memory_space<vmem>>
      %dma_start3A_19 = tpu.memref_slice %arg8[%mul3A_2] : memref<2048xi32, #tpu.memory_space<hbm>> -> memref<64xi32, #tpu.memory_space<hbm>>
      tpu.enqueue_dma source(%dma_start3A_19 : memref<64xi32, #tpu.memory_space<hbm>>) target(%dma_start3A_18 : memref<64xi32, #tpu.memory_space<vmem>>) target_semaphore(%run_scoped3A : memref<!tpu.dma_semaphore, #tpu.memory_space<semaphore_mem>>)
      %dma_wait3A = arith.constant 0 : i32
      %dma_wait3A_20 = tpu.memref_slice %arg18[%dma_wait3A] : memref<80xi32, #tpu.memory_space<vmem>> -> memref<64xi32, #tpu.memory_space<vmem>>
      %dma_wait3A_21 = tpu.memref_slice %arg8[%mul3A_2] : memref<2048xi32, #tpu.memory_space<hbm>> -> memref<64xi32, #tpu.memory_space<hbm>>
      %dma_wait3A_22 = arith.constant 0 : i32
      %dma_wait3A_23 = tpu.memref_slice %arg18[%dma_wait3A_22] : memref<80xi32, #tpu.memory_space<vmem>> -> memref<64xi32, #tpu.memory_space<vmem>>
      %dma_wait3A_24 = tpu.memref_slice %arg8[%mul3A_2] : memref<2048xi32, #tpu.memory_space<hbm>> -> memref<64xi32, #tpu.memory_space<hbm>>
      tpu.wait_dma2 semaphore(%run_scoped3A : memref<!tpu.dma_semaphore, #tpu.memory_space<semaphore_mem>>) src(%dma_wait3A_24 : memref<64xi32, #tpu.memory_space<hbm>>) dst(%dma_wait3A_23 : memref<64xi32, #tpu.memory_space<vmem>>)
      tpu.yield
    }) : () -> ()
    "tpu.region"() ({
      %run_scoped3A = tpu.sem_alloc : memref<!tpu.dma_semaphore, #tpu.memory_space<semaphore_mem>>
      %dma_start3A = arith.constant 0 : i32
      %dma_start3A_15 = tpu.memref_slice %arg19[%dma_start3A] : memref<80xi32, #tpu.memory_space<vmem>> -> memref<64xi32, #tpu.memory_space<vmem>>
      %dma_start3A_16 = tpu.memref_slice %arg9[%mul3A_2] : memref<2048xi32, #tpu.memory_space<hbm>> -> memref<64xi32, #tpu.memory_space<hbm>>
      %dma_start3A_17 = arith.constant 0 : i32
      %dma_start3A_18 = tpu.memref_slice %arg19[%dma_start3A_17] : memref<80xi32, #tpu.memory_space<vmem>> -> memref<64xi32, #tpu.memory_space<vmem>>
      %dma_start3A_19 = tpu.memref_slice %arg9[%mul3A_2] : memref<2048xi32, #tpu.memory_space<hbm>> -> memref<64xi32, #tpu.memory_space<hbm>>
      tpu.enqueue_dma source(%dma_start3A_19 : memref<64xi32, #tpu.memory_space<hbm>>) target(%dma_start3A_18 : memref<64xi32, #tpu.memory_space<vmem>>) target_semaphore(%run_scoped3A : memref<!tpu.dma_semaphore, #tpu.memory_space<semaphore_mem>>)
      %dma_wait3A = arith.constant 0 : i32
      %dma_wait3A_20 = tpu.memref_slice %arg19[%dma_wait3A] : memref<80xi32, #tpu.memory_space<vmem>> -> memref<64xi32, #tpu.memory_space<vmem>>
      %dma_wait3A_21 = tpu.memref_slice %arg9[%mul3A_2] : memref<2048xi32, #tpu.memory_space<hbm>> -> memref<64xi32, #tpu.memory_space<hbm>>
      %dma_wait3A_22 = arith.constant 0 : i32
      %dma_wait3A_23 = tpu.memref_slice %arg19[%dma_wait3A_22] : memref<80xi32, #tpu.memory_space<vmem>> -> memref<64xi32, #tpu.memory_space<vmem>>
      %dma_wait3A_24 = tpu.memref_slice %arg9[%mul3A_2] : memref<2048xi32, #tpu.memory_space<hbm>> -> memref<64xi32, #tpu.memory_space<hbm>>
      tpu.wait_dma2 semaphore(%run_scoped3A : memref<!tpu.dma_semaphore, #tpu.memory_space<semaphore_mem>>) src(%dma_wait3A_24 : memref<64xi32, #tpu.memory_space<hbm>>) dst(%dma_wait3A_23 : memref<64xi32, #tpu.memory_space<vmem>>)
      tpu.yield
    }) : () -> ()
    %iota3A = tpu.iota {dimensions = array<i32: 0>} : vector<16xi32>
    %broadcast_in_dim3A = arith.constant 0 : i32
    %broadcast_in_dim3A_3 = vector.broadcast %broadcast_in_dim3A : i32 to vector<16xi32>
    %scan3A = arith.constant 0 : i32
    %scan3A_4 = arith.constant 2.560000e-02 : f32
    %scan3A_5 = arith.constant 6.400000e-03 : f32
    %scan3A_6 = arith.constant 0 : i32
    %scan3A_7 = arith.constant 64 : i32
    %scan3A_8 = arith.addi %scan3A_6, %scan3A_7 : i32
    %scan3A_9 = arith.constant 1 : i32
    scf.for %scan3A_15 = %scan3A_6 to %scan3A_8 step %scan3A_9  : i32 {
      %get3A = arith.index_cast %scan3A_15 : i32 to index
      %get3A_16 = tpu.vector_load %arg15[%get3A] {strides = array<i32>} : memref<80xf32, #tpu.memory_space<vmem>>, vector<16xf32>,
      %slice3A = vector.extract_strided_slice %get3A_16 {offsets = [0], sizes = [1], strides = [1]} : vector<16xf32> to vector<1xf32>
      %squeeze3A = vector.extract %slice3A[0] : f32 from vector<1xf32>
      %broadcast_in_dim3A_17 = vector.broadcast %squeeze3A : f32 to vector<16xf32>
      %get3A_18 = arith.index_cast %scan3A_15 : i32 to index
      %get3A_19 = tpu.vector_load %arg16[%get3A_18] {strides = array<i32>} : memref<80xf32, #tpu.memory_space<vmem>>, vector<16xf32>,
      %slice3A_20 = vector.extract_strided_slice %get3A_19 {offsets = [0], sizes = [1], strides = [1]} : vector<16xf32> to vector<1xf32>
      %squeeze3A_21 = vector.extract %slice3A_20[0] : f32 from vector<1xf32>
      %broadcast_in_dim3A_22 = vector.broadcast %squeeze3A_21 : f32 to vector<16xf32>
      %get3A_23 = arith.index_cast %scan3A_15 : i32 to index
      %get3A_24 = tpu.vector_load %arg17[%get3A_23] {strides = array<i32>} : memref<80xf32, #tpu.memory_space<vmem>>, vector<16xf32>,
      %slice3A_25 = vector.extract_strided_slice %get3A_24 {offsets = [0], sizes = [1], strides = [1]} : vector<16xf32> to vector<1xf32>
      %squeeze3A_26 = vector.extract %slice3A_25[0] : f32 from vector<1xf32>
      %broadcast_in_dim3A_27 = vector.broadcast %squeeze3A_26 : f32 to vector<16xf32>
      %get3A_28 = arith.index_cast %scan3A_15 : i32 to index
      %get3A_29 = tpu.vector_load %arg18[%get3A_28] {strides = array<i32>} : memref<80xi32, #tpu.memory_space<vmem>>, vector<16xi32>,
      %slice3A_30 = vector.extract_strided_slice %get3A_29 {offsets = [0], sizes = [1], strides = [1]} : vector<16xi32> to vector<1xi32>
      %squeeze3A_31 = vector.extract %slice3A_30[0] : i32 from vector<1xi32>
      %get3A_32 = arith.index_cast %scan3A_15 : i32 to index
      %get3A_33 = tpu.vector_load %arg19[%get3A_32] {strides = array<i32>} : memref<80xi32, #tpu.memory_space<vmem>>, vector<16xi32>,
      %slice3A_34 = vector.extract_strided_slice %get3A_33 {offsets = [0], sizes = [1], strides = [1]} : vector<16xi32> to vector<1xi32>
      %squeeze3A_35 = vector.extract %slice3A_34[0] : i32 from vector<1xi32>
      %broadcast_in_dim3A_36 = vector.broadcast %squeeze3A_31 : i32 to vector<16xi32>
      %broadcast_in_dim3A_37 = vector.broadcast %squeeze3A_35 : i32 to vector<16xi32>
      %jit3A = arith.constant 16 : i32
      %div3A = arith.divsi %squeeze3A_31, %jit3A : i32
      %sign3A = arith.constant 0 : i32
      %sign3A_38 = arith.cmpi sgt, %squeeze3A_31, %sign3A : i32
      %sign3A_39 = arith.extui %sign3A_38 : i1 to i32
      %sign3A_40 = arith.constant 0 : i32
      %sign3A_41 = arith.cmpi slt, %squeeze3A_31, %sign3A_40 : i32
      %sign3A_42 = arith.extui %sign3A_41 : i1 to i32
      %sign3A_43 = arith.subi %sign3A_39, %sign3A_42 : i32
      %sign3A_44 = arith.constant 0 : i32
      %sign3A_45 = arith.cmpi sgt, %jit3A, %sign3A_44 : i32
      %sign3A_46 = arith.extui %sign3A_45 : i1 to i32
      %sign3A_47 = arith.constant 0 : i32
      %sign3A_48 = arith.cmpi slt, %jit3A, %sign3A_47 : i32
      %sign3A_49 = arith.extui %sign3A_48 : i1 to i32
      %sign3A_50 = arith.subi %sign3A_46, %sign3A_49 : i32
      %ne3A = arith.cmpi ne, %sign3A_43, %sign3A_50 : i32
      %rem3A = arith.remsi %squeeze3A_31, %jit3A : i32
      %ne3A_51 = arith.constant 0 : i32
      %ne3A_52 = arith.cmpi ne, %rem3A, %ne3A_51 : i32
      %and3A = arith.andi %ne3A, %ne3A_52 : i1
      %sub3A = arith.constant 1 : i32
      %sub3A_53 = arith.subi %div3A, %sub3A : i32
      %select_n3A = arith.select %and3A, %sub3A_53, %div3A : i32
      %add3A_54 = arith.constant 15 : i32
      %add3A_55 = arith.addi %squeeze3A_35, %add3A_54 : i32
      %jit3A_56 = arith.constant 16 : i32
      %div3A_57 = arith.divsi %add3A_55, %jit3A_56 : i32
      %sign3A_58 = arith.constant 0 : i32
      %sign3A_59 = arith.cmpi sgt, %add3A_55, %sign3A_58 : i32
      %sign3A_60 = arith.extui %sign3A_59 : i1 to i32
      %sign3A_61 = arith.constant 0 : i32
      %sign3A_62 = arith.cmpi slt, %add3A_55, %sign3A_61 : i32
      %sign3A_63 = arith.extui %sign3A_62 : i1 to i32
      %sign3A_64 = arith.subi %sign3A_60, %sign3A_63 : i32
      %sign3A_65 = arith.constant 0 : i32
      %sign3A_66 = arith.cmpi sgt, %jit3A_56, %sign3A_65 : i32
      %sign3A_67 = arith.extui %sign3A_66 : i1 to i32
      %sign3A_68 = arith.constant 0 : i32
      %sign3A_69 = arith.cmpi slt, %jit3A_56, %sign3A_68 : i32
      %sign3A_70 = arith.extui %sign3A_69 : i1 to i32
      %sign3A_71 = arith.subi %sign3A_67, %sign3A_70 : i32
      %ne3A_72 = arith.cmpi ne, %sign3A_64, %sign3A_71 : i32
      %rem3A_73 = arith.remsi %add3A_55, %jit3A_56 : i32
      %ne3A_74 = arith.constant 0 : i32
      %ne3A_75 = arith.cmpi ne, %rem3A_73, %ne3A_74 : i32
      %and3A_76 = arith.andi %ne3A_72, %ne3A_75 : i1
      %sub3A_77 = arith.constant 1 : i32
      %sub3A_78 = arith.subi %div3A_57, %sub3A_77 : i32
      %select_n3A_79 = arith.select %and3A_76, %sub3A_78, %div3A_57 : i32
      %mul3A_80 = arith.constant 16 : i32
      %mul3A_81 = arith.muli %select_n3A, %mul3A_80 : i32
      %add3A_82 = vector.broadcast %mul3A_81 : i32 to vector<16xi32>
      %add3A_83 = arith.addi %add3A_82, %iota3A : vector<16xi32>
      %while3A:4 = scf.while (%while3A_1165 = %select_n3A, %while3A_1166 = %add3A_83, %while3A_1167 = %broadcast_in_dim3A_3, %while3A_1168 = %broadcast_in_dim3A_3) : (i32, vector<16xi32>, vector<16xi32>, vector<16xi32>) -> (i32, vector<16xi32>, vector<16xi32>, vector<16xi32>) {
        %lt3A = arith.cmpi slt, %while3A_1165, %select_n3A_79 : i32
        %slice3A_1169 = vector.extract_strided_slice %while3A_1167 {offsets = [0], sizes = [1], strides = [1]} : vector<16xi32> to vector<1xi32>
        %squeeze3A_1170 = vector.extract %slice3A_1169[0] : i32 from vector<1xi32>
        %lt3A_1171 = arith.constant 16 : i32
        %lt3A_1172 = arith.cmpi slt, %squeeze3A_1170, %lt3A_1171 : i32
        %slice3A_1173 = vector.extract_strided_slice %while3A_1168 {offsets = [0], sizes = [1], strides = [1]} : vector<16xi32> to vector<1xi32>
        %squeeze3A_1174 = vector.extract %slice3A_1173[0] : i32 from vector<1xi32>
        %lt3A_1175 = arith.constant 32 : i32
        %lt3A_1176 = arith.cmpi slt, %squeeze3A_1174, %lt3A_1175 : i32
        %or3A = arith.ori %lt3A_1172, %lt3A_1176 : i1
        %and3A_1177 = arith.andi %lt3A, %or3A : i1
        scf.condition(%and3A_1177) %while3A_1165, %while3A_1166, %while3A_1167, %while3A_1168 : i32, vector<16xi32>, vector<16xi32>, vector<16xi32>
      } do {
      ^bb0(%while3A_1165: i32, %while3A_1166: vector<16xi32>, %while3A_1167: vector<16xi32>, %while3A_1168: vector<16xi32>):
        %mul3A_1169 = arith.constant 16 : i32
        %mul3A_1170 = arith.muli %while3A_1165, %mul3A_1169 : i32
        %get3A_1171 = arith.index_cast %mul3A_1170 : i32 to index
        %get3A_1172 = tpu.vector_load %arg12[%get3A_1171] {strides = array<i32>} : memref<16384xf32, #tpu.memory_space<vmem>>, vector<16xf32>,
        %get3A_1173 = arith.index_cast %mul3A_1170 : i32 to index
        %get3A_1174 = tpu.vector_load %arg13[%get3A_1173] {strides = array<i32>} : memref<16384xf32, #tpu.memory_space<vmem>>, vector<16xf32>,
        %get3A_1175 = arith.index_cast %mul3A_1170 : i32 to index
        %get3A_1176 = tpu.vector_load %arg14[%get3A_1175] {strides = array<i32>} : memref<16384xf32, #tpu.memory_space<vmem>>, vector<16xf32>,
        %sub3A_1177 = arith.subf %get3A_1172, %broadcast_in_dim3A_17 : vector<16xf32>
        %sub3A_1178 = arith.subf %get3A_1174, %broadcast_in_dim3A_22 : vector<16xf32>
        %sub3A_1179 = arith.subf %get3A_1176, %broadcast_in_dim3A_27 : vector<16xf32>
        %mul3A_1180 = arith.mulf %sub3A_1177, %sub3A_1177 : vector<16xf32>
        %mul3A_1181 = arith.mulf %sub3A_1178, %sub3A_1178 : vector<16xf32>
        %add3A_1182 = arith.addf %mul3A_1180, %mul3A_1181 : vector<16xf32>
        %mul3A_1183 = arith.mulf %sub3A_1179, %sub3A_1179 : vector<16xf32>
        %add3A_1184 = arith.addf %add3A_1182, %mul3A_1183 : vector<16xf32>
        %ge3A_1185 = arith.cmpi sge, %while3A_1166, %broadcast_in_dim3A_36 : vector<16xi32>
        %lt3A = arith.cmpi slt, %while3A_1166, %broadcast_in_dim3A_37 : vector<16xi32>
        %and3A_1186 = arith.andi %ge3A_1185, %lt3A : vector<16xi1>
        %lt3A_1187 = vector.broadcast %scan3A_4 : f32 to vector<16xf32>
        %lt3A_1188 = arith.cmpf olt, %add3A_1184, %lt3A_1187 : vector<16xf32>
        %and3A_1189 = arith.andi %lt3A_1188, %and3A_1186 : vector<16xi1>
        %lt3A_1190 = vector.broadcast %scan3A_5 : f32 to vector<16xf32>
        %lt3A_1191 = arith.cmpf olt, %add3A_1184, %lt3A_1190 : vector<16xf32>
        %and3A_1192 = arith.andi %lt3A_1191, %and3A_1186 : vector<16xi1>
        %convert_element_type3A = arith.extui %and3A_1189 : vector<16xi1> to vector<16xi32>
        %cumsum3A = arith.constant true
        %cumsum3A_1193 = vector.broadcast %cumsum3A : i1 to vector<16xi1>
        %cumsum3A_1194 = tpu.scan <sum>, %convert_element_type3A masked %cumsum3A_1193 : vector<16xi32>, vector<16xi1> -> vector<16xi32>
        %convert_element_type3A_1195 = arith.extui %and3A_1192 : vector<16xi1> to vector<16xi32>
        %cumsum3A_1196 = arith.constant true
        %cumsum3A_1197 = vector.broadcast %cumsum3A_1196 : i1 to vector<16xi1>
        %cumsum3A_1198 = tpu.scan <sum>, %convert_element_type3A_1195 masked %cumsum3A_1197 : vector<16xi32>, vector<16xi1> -> vector<16xi32>
        %add3A_1199 = arith.addi %while3A_1168, %cumsum3A_1194 : vector<16xi32>
        %sub3A_1200 = arith.constant 1 : i32
        %sub3A_1201 = vector.broadcast %sub3A_1200 : i32 to vector<16xi32>
        %sub3A_1202 = arith.subi %add3A_1199, %sub3A_1201 : vector<16xi32>
        %add3A_1203 = arith.addi %while3A_1167, %cumsum3A_1198 : vector<16xi32>
        %sub3A_1204 = arith.constant 1 : i32
        %sub3A_1205 = vector.broadcast %sub3A_1204 : i32 to vector<16xi32>
        %sub3A_1206 = arith.subi %add3A_1203, %sub3A_1205 : vector<16xi32>
        %lt3A_1207 = arith.constant 32 : i32
        %lt3A_1208 = vector.broadcast %lt3A_1207 : i32 to vector<16xi32>
        %lt3A_1209 = arith.cmpi slt, %sub3A_1202, %lt3A_1208 : vector<16xi32>
        %and3A_1210 = arith.andi %and3A_1189, %lt3A_1209 : vector<16xi1>
        tpu.vector_store_idx %arg21[%sub3A_1202], %while3A_1166 masked %and3A_1210 : memref<32xi32, #tpu.memory_space<vmem>>[vector<16xi32>], vector<16xi32>, vector<16xi1>
        %lt3A_1211 = arith.constant 16 : i32
        %lt3A_1212 = vector.broadcast %lt3A_1211 : i32 to vector<16xi32>
        %lt3A_1213 = arith.cmpi slt, %sub3A_1206, %lt3A_1212 : vector<16xi32>
        %and3A_1214 = arith.andi %and3A_1192, %lt3A_1213 : vector<16xi1>
        tpu.vector_store_idx %arg20[%sub3A_1206], %while3A_1166 masked %and3A_1214 : memref<16xi32, #tpu.memory_space<vmem>>[vector<16xi32>], vector<16xi32>, vector<16xi1>
        %all_reduce_population_count3A = tpu.all_reduce %and3A_1189 {dim = 0 : i64, kind = #tpu.reduction_kind<sum>} : vector<16xi1> -> vector<16xi32>
        %all_reduce_population_count3A_1215 = tpu.all_reduce %and3A_1192 {dim = 0 : i64, kind = #tpu.reduction_kind<sum>} : vector<16xi1> -> vector<16xi32>
        %add3A_1216 = arith.constant 1 : i32
        %add3A_1217 = arith.addi %while3A_1165, %add3A_1216 : i32
        %add3A_1218 = arith.constant 16 : i32
        %add3A_1219 = vector.broadcast %add3A_1218 : i32 to vector<16xi32>
        %add3A_1220 = arith.addi %while3A_1166, %add3A_1219 : vector<16xi32>
        %add3A_1221 = arith.addi %while3A_1167, %all_reduce_population_count3A_1215 : vector<16xi32>
        %add3A_1222 = arith.addi %while3A_1168, %all_reduce_population_count3A : vector<16xi32>
        scf.yield %add3A_1217, %add3A_1220, %add3A_1221, %add3A_1222 : i32, vector<16xi32>, vector<16xi32>, vector<16xi32>
      }
      %get3A_84 = arith.constant 0 : index
      %get3A_85 = tpu.vector_load %arg20[%get3A_84] {strides = array<i32>} : memref<16xi32, #tpu.memory_space<vmem>>, vector<16xi32>,
      %slice3A_86 = vector.extract_strided_slice %get3A_85 {offsets = [0], sizes = [1], strides = [1]} : vector<16xi32> to vector<1xi32>
      %squeeze3A_87 = vector.extract %slice3A_86[0] : i32 from vector<1xi32>
      %broadcast_in_dim3A_88 = vector.broadcast %squeeze3A_87 : i32 to vector<16xi32>
      %gt3A = arith.constant 0 : i32
      %gt3A_89 = vector.broadcast %gt3A : i32 to vector<16xi32>
      %gt3A_90 = arith.cmpi sgt, %while3A#2, %gt3A_89 : vector<16xi32>
      %jit3A_91 = arith.constant 0 : i32
      %broadcast_in_dim3A_92 = vector.broadcast %jit3A_91 : i32 to vector<16xi32>
      %select_n3A_93 = arith.select %gt3A_90, %broadcast_in_dim3A_88, %broadcast_in_dim3A_92 : vector<16xi1>, vector<16xi32>
      %min3A = arith.constant 16 : i32
      %min3A_94 = vector.broadcast %min3A : i32 to vector<16xi32>
      %min3A_95 = arith.minsi %while3A#2, %min3A_94 : vector<16xi32>
      %get3A_96 = arith.constant 0 : index
      %get3A_97 = tpu.vector_load %arg20[%get3A_96] {strides = array<i32>} : memref<16xi32, #tpu.memory_space<vmem>>, vector<16xi32>,
      %ge3A = arith.cmpi sge, %iota3A, %min3A_95 : vector<16xi32>
      %select_n3A_98 = arith.select %ge3A, %select_n3A_93, %get3A_97 : vector<16xi1>, vector<16xi32>
      %swap3A = arith.constant 0 : index
      %swap3A_99 = tpu.vector_load %arg20[%swap3A] {strides = array<i32>} : memref<16xi32, #tpu.memory_space<vmem>>, vector<16xi32>,
      tpu.vector_store %arg20[%swap3A], %select_n3A_98 {strides = array<i32>} : memref<16xi32, #tpu.memory_space<vmem>>, vector<16xi32>,
      %get3A_100 = arith.constant 0 : index
      %get3A_101 = tpu.vector_load %arg21[%get3A_100] {strides = array<i32>} : memref<32xi32, #tpu.memory_space<vmem>>, vector<16xi32>,
      %slice3A_102 = vector.extract_strided_slice %get3A_101 {offsets = [0], sizes = [1], strides = [1]} : vector<16xi32> to vector<1xi32>
      %squeeze3A_103 = vector.extract %slice3A_102[0] : i32 from vector<1xi32>
      %broadcast_in_dim3A_104 = vector.broadcast %squeeze3A_103 : i32 to vector<16xi32>
      %gt3A_105 = arith.constant 0 : i32
      %gt3A_106 = vector.broadcast %gt3A_105 : i32 to vector<16xi32>
      %gt3A_107 = arith.cmpi sgt, %while3A#3, %gt3A_106 : vector<16xi32>
      %jit3A_108 = arith.constant 0 : i32
      %broadcast_in_dim3A_109 = vector.broadcast %jit3A_108 : i32 to vector<16xi32>
      %select_n3A_110 = arith.select %gt3A_107, %broadcast_in_dim3A_104, %broadcast_in_dim3A_109 : vector<16xi1>, vector<16xi32>
      %min3A_111 = arith.constant 32 : i32
      %min3A_112 = vector.broadcast %min3A_111 : i32 to vector<16xi32>
      %min3A_113 = arith.minsi %while3A#3, %min3A_112 : vector<16xi32>
      %get3A_114 = arith.constant 0 : index
      %get3A_115 = tpu.vector_load %arg21[%get3A_114] {strides = array<i32>} : memref<32xi32, #tpu.memory_space<vmem>>, vector<16xi32>,
      %add3A_116 = arith.constant 0 : i32
      %add3A_117 = vector.broadcast %add3A_116 : i32 to vector<16xi32>
      %add3A_118 = arith.addi %iota3A, %add3A_117 : vector<16xi32>
      %ge3A_119 = arith.cmpi sge, %add3A_118, %min3A_113 : vector<16xi32>
      %select_n3A_120 = arith.select %ge3A_119, %select_n3A_110, %get3A_115 : vector<16xi1>, vector<16xi32>
      %swap3A_121 = arith.constant 0 : index
      %swap3A_122 = tpu.vector_load %arg21[%swap3A_121] {strides = array<i32>} : memref<32xi32, #tpu.memory_space<vmem>>, vector<16xi32>,
      tpu.vector_store %arg21[%swap3A_121], %select_n3A_120 {strides = array<i32>} : memref<32xi32, #tpu.memory_space<vmem>>, vector<16xi32>,
      %get3A_123 = arith.constant 16 : index
      %get3A_124 = tpu.vector_load %arg21[%get3A_123] {strides = array<i32>} : memref<32xi32, #tpu.memory_space<vmem>>, vector<16xi32>,
      %add3A_125 = arith.constant 16 : i32
      %add3A_126 = vector.broadcast %add3A_125 : i32 to vector<16xi32>
      %add3A_127 = arith.addi %iota3A, %add3A_126 : vector<16xi32>
      %ge3A_128 = arith.cmpi sge, %add3A_127, %min3A_113 : vector<16xi32>
      %select_n3A_129 = arith.select %ge3A_128, %select_n3A_110, %get3A_124 : vector<16xi1>, vector<16xi32>
      %swap3A_130 = arith.constant 16 : index
      %swap3A_131 = tpu.vector_load %arg21[%swap3A_130] {strides = array<i32>} : memref<32xi32, #tpu.memory_space<vmem>>, vector<16xi32>,
      tpu.vector_store %arg21[%swap3A_130], %select_n3A_129 {strides = array<i32>} : memref<32xi32, #tpu.memory_space<vmem>>, vector<16xi32>,
      %dma_start3A = arith.constant 0 : i32
      %dma_start3A_132 = arith.constant 0 : i32
      %dma_start3A_133 = tpu.memref_slice %arg10[%dma_start3A, %dma_start3A_132] : memref<16384x64xf32, #tpu.memory_space<hbm>> -> memref<16384x64xf32, #tpu.memory_space<hbm>>
      tpu.enqueue_indirect_dma source(%dma_start3A_133 : memref<16384x64xf32, #tpu.memory_space<hbm>>) target(%arg22 : memref<16x64xf32, #tpu.memory_space<vmem>>) offsets(%arg20 : memref<16xi32, #tpu.memory_space<vmem>>) semaphore(%arg25 : memref<!tpu.dma_semaphore, #tpu.memory_space<semaphore_mem>>)
      %dma_start3A_134 = arith.constant 0 : i32
      %dma_start3A_135 = arith.constant 0 : i32
      %dma_start3A_136 = tpu.memref_slice %arg10[%dma_start3A_134, %dma_start3A_135] : memref<16384x64xf32, #tpu.memory_space<hbm>> -> memref<16384x64xf32, #tpu.memory_space<hbm>>
      tpu.enqueue_indirect_dma source(%dma_start3A_136 : memref<16384x64xf32, #tpu.memory_space<hbm>>) target(%arg23 : memref<32x64xf32, #tpu.memory_space<vmem>>) offsets(%arg21 : memref<32xi32, #tpu.memory_space<vmem>>) semaphore(%arg26 : memref<!tpu.dma_semaphore, #tpu.memory_space<semaphore_mem>>)
      %dma_wait3A = arith.constant 0 : i32
      %dma_wait3A_137 = arith.constant 0 : i32
      %dma_wait3A_138 = tpu.memref_slice %arg10[%dma_wait3A, %dma_wait3A_137] : memref<16384x64xf32, #tpu.memory_space<hbm>> -> memref<16384x64xf32, #tpu.memory_space<hbm>>
      tpu.wait_indirect_dma semaphore(%arg25 : memref<!tpu.dma_semaphore, #tpu.memory_space<semaphore_mem>>) src(%dma_wait3A_138 : memref<16384x64xf32, #tpu.memory_space<hbm>>) dst(%arg22 : memref<16x64xf32, #tpu.memory_space<vmem>>)
      %dma_wait3A_139 = arith.constant 0 : i32
      %dma_wait3A_140 = arith.constant 0 : i32
      %dma_wait3A_141 = tpu.memref_slice %arg10[%dma_wait3A_139, %dma_wait3A_140] : memref<16384x64xf32, #tpu.memory_space<hbm>> -> memref<16384x64xf32, #tpu.memory_space<hbm>>
      tpu.wait_indirect_dma semaphore(%arg26 : memref<!tpu.dma_semaphore, #tpu.memory_space<semaphore_mem>>) src(%dma_wait3A_141 : memref<16384x64xf32, #tpu.memory_space<hbm>>) dst(%arg23 : memref<32x64xf32, #tpu.memory_space<vmem>>)
      %gt3A_142 = arith.constant 0 : i32
      %gt3A_143 = vector.broadcast %gt3A_142 : i32 to vector<16xi32>
      %gt3A_144 = arith.cmpi sgt, %while3A#2, %gt3A_143 : vector<16xi32>
      %gt3A_145 = arith.constant 0 : i32
      %gt3A_146 = vector.broadcast %gt3A_145 : i32 to vector<16xi32>
      %gt3A_147 = arith.cmpi sgt, %while3A#3, %gt3A_146 : vector<16xi32>
      %mul3A_148 = arith.constant 128 : i32
      %mul3A_149 = arith.muli %scan3A_15, %mul3A_148 : i32
      %get3A_150 = arith.constant 0 : i32
      %get3A_151 = arith.index_cast %get3A_150 : i32 to index
      %get3A_152 = arith.constant 0 : index
      %get3A_153 = tpu.vector_load %arg22[%get3A_151, %get3A_152] {strides = array<i32>} : memref<16x64xf32, #tpu.memory_space<vmem>>, vector<16xf32>,
      %get3A_154 = arith.constant 1 : i32
      %get3A_155 = arith.index_cast %get3A_154 : i32 to index
      %get3A_156 = arith.constant 0 : index
      %get3A_157 = tpu.vector_load %arg22[%get3A_155, %get3A_156] {strides = array<i32>} : memref<16x64xf32, #tpu.memory_space<vmem>>, vector<16xf32>,
      %max3A = arith.maximumf %get3A_153, %get3A_157 : vector<16xf32>
      %get3A_158 = arith.constant 2 : i32
      %get3A_159 = arith.index_cast %get3A_158 : i32 to index
      %get3A_160 = arith.constant 0 : index
      %get3A_161 = tpu.vector_load %arg22[%get3A_159, %get3A_160] {strides = array<i32>} : memref<16x64xf32, #tpu.memory_space<vmem>>, vector<16xf32>,
      %max3A_162 = arith.maximumf %max3A, %get3A_161 : vector<16xf32>
      %get3A_163 = arith.constant 3 : i32
      %get3A_164 = arith.index_cast %get3A_163 : i32 to index
      %get3A_165 = arith.constant 0 : index
      %get3A_166 = tpu.vector_load %arg22[%get3A_164, %get3A_165] {strides = array<i32>} : memref<16x64xf32, #tpu.memory_space<vmem>>, vector<16xf32>,
      %max3A_167 = arith.maximumf %max3A_162, %get3A_166 : vector<16xf32>
      %get3A_168 = arith.constant 4 : i32
      %get3A_169 = arith.index_cast %get3A_168 : i32 to index
      %get3A_170 = arith.constant 0 : index
      %get3A_171 = tpu.vector_load %arg22[%get3A_169, %get3A_170] {strides = array<i32>} : memref<16x64xf32, #tpu.memory_space<vmem>>, vector<16xf32>,
      %max3A_172 = arith.maximumf %max3A_167, %get3A_171 : vector<16xf32>
      %get3A_173 = arith.constant 5 : i32
      %get3A_174 = arith.index_cast %get3A_173 : i32 to index
      %get3A_175 = arith.constant 0 : index
      %get3A_176 = tpu.vector_load %arg22[%get3A_174, %get3A_175] {strides = array<i32>} : memref<16x64xf32, #tpu.memory_space<vmem>>, vector<16xf32>,
      %max3A_177 = arith.maximumf %max3A_172, %get3A_176 : vector<16xf32>
      %get3A_178 = arith.constant 6 : i32
      %get3A_179 = arith.index_cast %get3A_178 : i32 to index
      %get3A_180 = arith.constant 0 : index
      %get3A_181 = tpu.vector_load %arg22[%get3A_179, %get3A_180] {strides = array<i32>} : memref<16x64xf32, #tpu.memory_space<vmem>>, vector<16xf32>,
      %max3A_182 = arith.maximumf %max3A_177, %get3A_181 : vector<16xf32>
      %get3A_183 = arith.constant 7 : i32
      %get3A_184 = arith.index_cast %get3A_183 : i32 to index
      %get3A_185 = arith.constant 0 : index
      %get3A_186 = tpu.vector_load %arg22[%get3A_184, %get3A_185] {strides = array<i32>} : memref<16x64xf32, #tpu.memory_space<vmem>>, vector<16xf32>,
      %max3A_187 = arith.maximumf %max3A_182, %get3A_186 : vector<16xf32>
      %get3A_188 = arith.constant 8 : i32
      %get3A_189 = arith.index_cast %get3A_188 : i32 to index
      %get3A_190 = arith.constant 0 : index
      %get3A_191 = tpu.vector_load %arg22[%get3A_189, %get3A_190] {strides = array<i32>} : memref<16x64xf32, #tpu.memory_space<vmem>>, vector<16xf32>,
      %max3A_192 = arith.maximumf %max3A_187, %get3A_191 : vector<16xf32>
      %get3A_193 = arith.constant 9 : i32
      %get3A_194 = arith.index_cast %get3A_193 : i32 to index
      %get3A_195 = arith.constant 0 : index
      %get3A_196 = tpu.vector_load %arg22[%get3A_194, %get3A_195] {strides = array<i32>} : memref<16x64xf32, #tpu.memory_space<vmem>>, vector<16xf32>,
      %max3A_197 = arith.maximumf %max3A_192, %get3A_196 : vector<16xf32>
      %get3A_198 = arith.constant 10 : i32
      %get3A_199 = arith.index_cast %get3A_198 : i32 to index
      %get3A_200 = arith.constant 0 : index
      %get3A_201 = tpu.vector_load %arg22[%get3A_199, %get3A_200] {strides = array<i32>} : memref<16x64xf32, #tpu.memory_space<vmem>>, vector<16xf32>,
      %max3A_202 = arith.maximumf %max3A_197, %get3A_201 : vector<16xf32>
      %get3A_203 = arith.constant 11 : i32
      %get3A_204 = arith.index_cast %get3A_203 : i32 to index
      %get3A_205 = arith.constant 0 : index
      %get3A_206 = tpu.vector_load %arg22[%get3A_204, %get3A_205] {strides = array<i32>} : memref<16x64xf32, #tpu.memory_space<vmem>>, vector<16xf32>,
      %max3A_207 = arith.maximumf %max3A_202, %get3A_206 : vector<16xf32>
      %get3A_208 = arith.constant 12 : i32
      %get3A_209 = arith.index_cast %get3A_208 : i32 to index
      %get3A_210 = arith.constant 0 : index
      %get3A_211 = tpu.vector_load %arg22[%get3A_209, %get3A_210] {strides = array<i32>} : memref<16x64xf32, #tpu.memory_space<vmem>>, vector<16xf32>,
      %max3A_212 = arith.maximumf %max3A_207, %get3A_211 : vector<16xf32>
      %get3A_213 = arith.constant 13 : i32
      %get3A_214 = arith.index_cast %get3A_213 : i32 to index
      %get3A_215 = arith.constant 0 : index
      %get3A_216 = tpu.vector_load %arg22[%get3A_214, %get3A_215] {strides = array<i32>} : memref<16x64xf32, #tpu.memory_space<vmem>>, vector<16xf32>,
      %max3A_217 = arith.maximumf %max3A_212, %get3A_216 : vector<16xf32>
      %get3A_218 = arith.constant 14 : i32
      %get3A_219 = arith.index_cast %get3A_218 : i32 to index
      %get3A_220 = arith.constant 0 : index
      %get3A_221 = tpu.vector_load %arg22[%get3A_219, %get3A_220] {strides = array<i32>} : memref<16x64xf32, #tpu.memory_space<vmem>>, vector<16xf32>,
      %max3A_222 = arith.maximumf %max3A_217, %get3A_221 : vector<16xf32>
      %get3A_223 = arith.constant 15 : i32
      %get3A_224 = arith.index_cast %get3A_223 : i32 to index
      %get3A_225 = arith.constant 0 : index
      %get3A_226 = tpu.vector_load %arg22[%get3A_224, %get3A_225] {strides = array<i32>} : memref<16x64xf32, #tpu.memory_space<vmem>>, vector<16xf32>,
      %max3A_227 = arith.maximumf %max3A_222, %get3A_226 : vector<16xf32>
      %jit3A_228 = arith.constant 0.000000e+00 : f32
      %broadcast_in_dim3A_229 = vector.broadcast %jit3A_228 : f32 to vector<16xf32>
      %select_n3A_230 = arith.select %gt3A_144, %max3A_227, %broadcast_in_dim3A_229 : vector<16xi1>, vector<16xf32>
      %add3A_231 = arith.constant 0 : i32
      %add3A_232 = arith.addi %mul3A_149, %add3A_231 : i32
      %swap3A_233 = arith.index_cast %add3A_232 : i32 to index
      %swap3A_234 = tpu.vector_load %arg24[%swap3A_233] {strides = array<i32>} : memref<8192xf32, #tpu.memory_space<vmem>>, vector<16xf32>,
      tpu.vector_store %arg24[%swap3A_233], %select_n3A_230 {strides = array<i32>} : memref<8192xf32, #tpu.memory_space<vmem>>, vector<16xf32>,
      %get3A_235 = arith.constant 0 : i32
      %get3A_236 = arith.index_cast %get3A_235 : i32 to index
      %get3A_237 = arith.constant 16 : index
      %get3A_238 = tpu.vector_load %arg22[%get3A_236, %get3A_237] {strides = array<i32>} : memref<16x64xf32, #tpu.memory_space<vmem>>, vector<16xf32>,
      %get3A_239 = arith.constant 1 : i32
      %get3A_240 = arith.index_cast %get3A_239 : i32 to index
      %get3A_241 = arith.constant 16 : index
      %get3A_242 = tpu.vector_load %arg22[%get3A_240, %get3A_241] {strides = array<i32>} : memref<16x64xf32, #tpu.memory_space<vmem>>, vector<16xf32>,
      %max3A_243 = arith.maximumf %get3A_238, %get3A_242 : vector<16xf32>
      %get3A_244 = arith.constant 2 : i32
      %get3A_245 = arith.index_cast %get3A_244 : i32 to index
      %get3A_246 = arith.constant 16 : index
      %get3A_247 = tpu.vector_load %arg22[%get3A_245, %get3A_246] {strides = array<i32>} : memref<16x64xf32, #tpu.memory_space<vmem>>, vector<16xf32>,
      %max3A_248 = arith.maximumf %max3A_243, %get3A_247 : vector<16xf32>
      %get3A_249 = arith.constant 3 : i32
      %get3A_250 = arith.index_cast %get3A_249 : i32 to index
      %get3A_251 = arith.constant 16 : index
      %get3A_252 = tpu.vector_load %arg22[%get3A_250, %get3A_251] {strides = array<i32>} : memref<16x64xf32, #tpu.memory_space<vmem>>, vector<16xf32>,
      %max3A_253 = arith.maximumf %max3A_248, %get3A_252 : vector<16xf32>
      %get3A_254 = arith.constant 4 : i32
      %get3A_255 = arith.index_cast %get3A_254 : i32 to index
      %get3A_256 = arith.constant 16 : index
      %get3A_257 = tpu.vector_load %arg22[%get3A_255, %get3A_256] {strides = array<i32>} : memref<16x64xf32, #tpu.memory_space<vmem>>, vector<16xf32>,
      %max3A_258 = arith.maximumf %max3A_253, %get3A_257 : vector<16xf32>
      %get3A_259 = arith.constant 5 : i32
      %get3A_260 = arith.index_cast %get3A_259 : i32 to index
      %get3A_261 = arith.constant 16 : index
      %get3A_262 = tpu.vector_load %arg22[%get3A_260, %get3A_261] {strides = array<i32>} : memref<16x64xf32, #tpu.memory_space<vmem>>, vector<16xf32>,
      %max3A_263 = arith.maximumf %max3A_258, %get3A_262 : vector<16xf32>
      %get3A_264 = arith.constant 6 : i32
      %get3A_265 = arith.index_cast %get3A_264 : i32 to index
      %get3A_266 = arith.constant 16 : index
      %get3A_267 = tpu.vector_load %arg22[%get3A_265, %get3A_266] {strides = array<i32>} : memref<16x64xf32, #tpu.memory_space<vmem>>, vector<16xf32>,
      %max3A_268 = arith.maximumf %max3A_263, %get3A_267 : vector<16xf32>
      %get3A_269 = arith.constant 7 : i32
      %get3A_270 = arith.index_cast %get3A_269 : i32 to index
      %get3A_271 = arith.constant 16 : index
      %get3A_272 = tpu.vector_load %arg22[%get3A_270, %get3A_271] {strides = array<i32>} : memref<16x64xf32, #tpu.memory_space<vmem>>, vector<16xf32>,
      %max3A_273 = arith.maximumf %max3A_268, %get3A_272 : vector<16xf32>
      %get3A_274 = arith.constant 8 : i32
      %get3A_275 = arith.index_cast %get3A_274 : i32 to index
      %get3A_276 = arith.constant 16 : index
      %get3A_277 = tpu.vector_load %arg22[%get3A_275, %get3A_276] {strides = array<i32>} : memref<16x64xf32, #tpu.memory_space<vmem>>, vector<16xf32>,
      %max3A_278 = arith.maximumf %max3A_273, %get3A_277 : vector<16xf32>
      %get3A_279 = arith.constant 9 : i32
      %get3A_280 = arith.index_cast %get3A_279 : i32 to index
      %get3A_281 = arith.constant 16 : index
      %get3A_282 = tpu.vector_load %arg22[%get3A_280, %get3A_281] {strides = array<i32>} : memref<16x64xf32, #tpu.memory_space<vmem>>, vector<16xf32>,
      %max3A_283 = arith.maximumf %max3A_278, %get3A_282 : vector<16xf32>
      %get3A_284 = arith.constant 10 : i32
      %get3A_285 = arith.index_cast %get3A_284 : i32 to index
      %get3A_286 = arith.constant 16 : index
      %get3A_287 = tpu.vector_load %arg22[%get3A_285, %get3A_286] {strides = array<i32>} : memref<16x64xf32, #tpu.memory_space<vmem>>, vector<16xf32>,
      %max3A_288 = arith.maximumf %max3A_283, %get3A_287 : vector<16xf32>
      %get3A_289 = arith.constant 11 : i32
      %get3A_290 = arith.index_cast %get3A_289 : i32 to index
      %get3A_291 = arith.constant 16 : index
      %get3A_292 = tpu.vector_load %arg22[%get3A_290, %get3A_291] {strides = array<i32>} : memref<16x64xf32, #tpu.memory_space<vmem>>, vector<16xf32>,
      %max3A_293 = arith.maximumf %max3A_288, %get3A_292 : vector<16xf32>
      %get3A_294 = arith.constant 12 : i32
      %get3A_295 = arith.index_cast %get3A_294 : i32 to index
      %get3A_296 = arith.constant 16 : index
      %get3A_297 = tpu.vector_load %arg22[%get3A_295, %get3A_296] {strides = array<i32>} : memref<16x64xf32, #tpu.memory_space<vmem>>, vector<16xf32>,
      %max3A_298 = arith.maximumf %max3A_293, %get3A_297 : vector<16xf32>
      %get3A_299 = arith.constant 13 : i32
      %get3A_300 = arith.index_cast %get3A_299 : i32 to index
      %get3A_301 = arith.constant 16 : index
      %get3A_302 = tpu.vector_load %arg22[%get3A_300, %get3A_301] {strides = array<i32>} : memref<16x64xf32, #tpu.memory_space<vmem>>, vector<16xf32>,
      %max3A_303 = arith.maximumf %max3A_298, %get3A_302 : vector<16xf32>
      %get3A_304 = arith.constant 14 : i32
      %get3A_305 = arith.index_cast %get3A_304 : i32 to index
      %get3A_306 = arith.constant 16 : index
      %get3A_307 = tpu.vector_load %arg22[%get3A_305, %get3A_306] {strides = array<i32>} : memref<16x64xf32, #tpu.memory_space<vmem>>, vector<16xf32>,
      %max3A_308 = arith.maximumf %max3A_303, %get3A_307 : vector<16xf32>
      %get3A_309 = arith.constant 15 : i32
      %get3A_310 = arith.index_cast %get3A_309 : i32 to index
      %get3A_311 = arith.constant 16 : index
      %get3A_312 = tpu.vector_load %arg22[%get3A_310, %get3A_311] {strides = array<i32>} : memref<16x64xf32, #tpu.memory_space<vmem>>, vector<16xf32>,
      %max3A_313 = arith.maximumf %max3A_308, %get3A_312 : vector<16xf32>
      %jit3A_314 = arith.constant 0.000000e+00 : f32
      %broadcast_in_dim3A_315 = vector.broadcast %jit3A_314 : f32 to vector<16xf32>
      %select_n3A_316 = arith.select %gt3A_144, %max3A_313, %broadcast_in_dim3A_315 : vector<16xi1>, vector<16xf32>
      %add3A_317 = arith.constant 16 : i32
      %add3A_318 = arith.addi %mul3A_149, %add3A_317 : i32
      %swap3A_319 = arith.index_cast %add3A_318 : i32 to index
      %swap3A_320 = tpu.vector_load %arg24[%swap3A_319] {strides = array<i32>} : memref<8192xf32, #tpu.memory_space<vmem>>, vector<16xf32>,
      tpu.vector_store %arg24[%swap3A_319], %select_n3A_316 {strides = array<i32>} : memref<8192xf32, #tpu.memory_space<vmem>>, vector<16xf32>,
      %get3A_321 = arith.constant 0 : i32
      %get3A_322 = arith.index_cast %get3A_321 : i32 to index
      %get3A_323 = arith.constant 32 : index
      %get3A_324 = tpu.vector_load %arg22[%get3A_322, %get3A_323] {strides = array<i32>} : memref<16x64xf32, #tpu.memory_space<vmem>>, vector<16xf32>,
      %get3A_325 = arith.constant 1 : i32
      %get3A_326 = arith.index_cast %get3A_325 : i32 to index
      %get3A_327 = arith.constant 32 : index
      %get3A_328 = tpu.vector_load %arg22[%get3A_326, %get3A_327] {strides = array<i32>} : memref<16x64xf32, #tpu.memory_space<vmem>>, vector<16xf32>,
      %max3A_329 = arith.maximumf %get3A_324, %get3A_328 : vector<16xf32>
      %get3A_330 = arith.constant 2 : i32
      %get3A_331 = arith.index_cast %get3A_330 : i32 to index
      %get3A_332 = arith.constant 32 : index
      %get3A_333 = tpu.vector_load %arg22[%get3A_331, %get3A_332] {strides = array<i32>} : memref<16x64xf32, #tpu.memory_space<vmem>>, vector<16xf32>,
      %max3A_334 = arith.maximumf %max3A_329, %get3A_333 : vector<16xf32>
      %get3A_335 = arith.constant 3 : i32
      %get3A_336 = arith.index_cast %get3A_335 : i32 to index
      %get3A_337 = arith.constant 32 : index
      %get3A_338 = tpu.vector_load %arg22[%get3A_336, %get3A_337] {strides = array<i32>} : memref<16x64xf32, #tpu.memory_space<vmem>>, vector<16xf32>,
      %max3A_339 = arith.maximumf %max3A_334, %get3A_338 : vector<16xf32>
      %get3A_340 = arith.constant 4 : i32
      %get3A_341 = arith.index_cast %get3A_340 : i32 to index
      %get3A_342 = arith.constant 32 : index
      %get3A_343 = tpu.vector_load %arg22[%get3A_341, %get3A_342] {strides = array<i32>} : memref<16x64xf32, #tpu.memory_space<vmem>>, vector<16xf32>,
      %max3A_344 = arith.maximumf %max3A_339, %get3A_343 : vector<16xf32>
      %get3A_345 = arith.constant 5 : i32
      %get3A_346 = arith.index_cast %get3A_345 : i32 to index
      %get3A_347 = arith.constant 32 : index
      %get3A_348 = tpu.vector_load %arg22[%get3A_346, %get3A_347] {strides = array<i32>} : memref<16x64xf32, #tpu.memory_space<vmem>>, vector<16xf32>,
      %max3A_349 = arith.maximumf %max3A_344, %get3A_348 : vector<16xf32>
      %get3A_350 = arith.constant 6 : i32
      %get3A_351 = arith.index_cast %get3A_350 : i32 to index
      %get3A_352 = arith.constant 32 : index
      %get3A_353 = tpu.vector_load %arg22[%get3A_351, %get3A_352] {strides = array<i32>} : memref<16x64xf32, #tpu.memory_space<vmem>>, vector<16xf32>,
      %max3A_354 = arith.maximumf %max3A_349, %get3A_353 : vector<16xf32>
      %get3A_355 = arith.constant 7 : i32
      %get3A_356 = arith.index_cast %get3A_355 : i32 to index
      %get3A_357 = arith.constant 32 : index
      %get3A_358 = tpu.vector_load %arg22[%get3A_356, %get3A_357] {strides = array<i32>} : memref<16x64xf32, #tpu.memory_space<vmem>>, vector<16xf32>,
      %max3A_359 = arith.maximumf %max3A_354, %get3A_358 : vector<16xf32>
      %get3A_360 = arith.constant 8 : i32
      %get3A_361 = arith.index_cast %get3A_360 : i32 to index
      %get3A_362 = arith.constant 32 : index
      %get3A_363 = tpu.vector_load %arg22[%get3A_361, %get3A_362] {strides = array<i32>} : memref<16x64xf32, #tpu.memory_space<vmem>>, vector<16xf32>,
      %max3A_364 = arith.maximumf %max3A_359, %get3A_363 : vector<16xf32>
      %get3A_365 = arith.constant 9 : i32
      %get3A_366 = arith.index_cast %get3A_365 : i32 to index
      %get3A_367 = arith.constant 32 : index
      %get3A_368 = tpu.vector_load %arg22[%get3A_366, %get3A_367] {strides = array<i32>} : memref<16x64xf32, #tpu.memory_space<vmem>>, vector<16xf32>,
      %max3A_369 = arith.maximumf %max3A_364, %get3A_368 : vector<16xf32>
      %get3A_370 = arith.constant 10 : i32
      %get3A_371 = arith.index_cast %get3A_370 : i32 to index
      %get3A_372 = arith.constant 32 : index
      %get3A_373 = tpu.vector_load %arg22[%get3A_371, %get3A_372] {strides = array<i32>} : memref<16x64xf32, #tpu.memory_space<vmem>>, vector<16xf32>,
      %max3A_374 = arith.maximumf %max3A_369, %get3A_373 : vector<16xf32>
      %get3A_375 = arith.constant 11 : i32
      %get3A_376 = arith.index_cast %get3A_375 : i32 to index
      %get3A_377 = arith.constant 32 : index
      %get3A_378 = tpu.vector_load %arg22[%get3A_376, %get3A_377] {strides = array<i32>} : memref<16x64xf32, #tpu.memory_space<vmem>>, vector<16xf32>,
      %max3A_379 = arith.maximumf %max3A_374, %get3A_378 : vector<16xf32>
      %get3A_380 = arith.constant 12 : i32
      %get3A_381 = arith.index_cast %get3A_380 : i32 to index
      %get3A_382 = arith.constant 32 : index
      %get3A_383 = tpu.vector_load %arg22[%get3A_381, %get3A_382] {strides = array<i32>} : memref<16x64xf32, #tpu.memory_space<vmem>>, vector<16xf32>,
      %max3A_384 = arith.maximumf %max3A_379, %get3A_383 : vector<16xf32>
      %get3A_385 = arith.constant 13 : i32
      %get3A_386 = arith.index_cast %get3A_385 : i32 to index
      %get3A_387 = arith.constant 32 : index
      %get3A_388 = tpu.vector_load %arg22[%get3A_386, %get3A_387] {strides = array<i32>} : memref<16x64xf32, #tpu.memory_space<vmem>>, vector<16xf32>,
      %max3A_389 = arith.maximumf %max3A_384, %get3A_388 : vector<16xf32>
      %get3A_390 = arith.constant 14 : i32
      %get3A_391 = arith.index_cast %get3A_390 : i32 to index
      %get3A_392 = arith.constant 32 : index
      %get3A_393 = tpu.vector_load %arg22[%get3A_391, %get3A_392] {strides = array<i32>} : memref<16x64xf32, #tpu.memory_space<vmem>>, vector<16xf32>,
      %max3A_394 = arith.maximumf %max3A_389, %get3A_393 : vector<16xf32>
      %get3A_395 = arith.constant 15 : i32
      %get3A_396 = arith.index_cast %get3A_395 : i32 to index
      %get3A_397 = arith.constant 32 : index
      %get3A_398 = tpu.vector_load %arg22[%get3A_396, %get3A_397] {strides = array<i32>} : memref<16x64xf32, #tpu.memory_space<vmem>>, vector<16xf32>,
      %max3A_399 = arith.maximumf %max3A_394, %get3A_398 : vector<16xf32>
      %jit3A_400 = arith.constant 0.000000e+00 : f32
      %broadcast_in_dim3A_401 = vector.broadcast %jit3A_400 : f32 to vector<16xf32>
      %select_n3A_402 = arith.select %gt3A_144, %max3A_399, %broadcast_in_dim3A_401 : vector<16xi1>, vector<16xf32>
      %add3A_403 = arith.constant 32 : i32
      %add3A_404 = arith.addi %mul3A_149, %add3A_403 : i32
      %swap3A_405 = arith.index_cast %add3A_404 : i32 to index
      %swap3A_406 = tpu.vector_load %arg24[%swap3A_405] {strides = array<i32>} : memref<8192xf32, #tpu.memory_space<vmem>>, vector<16xf32>,
      tpu.vector_store %arg24[%swap3A_405], %select_n3A_402 {strides = array<i32>} : memref<8192xf32, #tpu.memory_space<vmem>>, vector<16xf32>,
      %get3A_407 = arith.constant 0 : i32
      %get3A_408 = arith.index_cast %get3A_407 : i32 to index
      %get3A_409 = arith.constant 48 : index
      %get3A_410 = tpu.vector_load %arg22[%get3A_408, %get3A_409] {strides = array<i32>} : memref<16x64xf32, #tpu.memory_space<vmem>>, vector<16xf32>,
      %get3A_411 = arith.constant 1 : i32
      %get3A_412 = arith.index_cast %get3A_411 : i32 to index
      %get3A_413 = arith.constant 48 : index
      %get3A_414 = tpu.vector_load %arg22[%get3A_412, %get3A_413] {strides = array<i32>} : memref<16x64xf32, #tpu.memory_space<vmem>>, vector<16xf32>,
      %max3A_415 = arith.maximumf %get3A_410, %get3A_414 : vector<16xf32>
      %get3A_416 = arith.constant 2 : i32
      %get3A_417 = arith.index_cast %get3A_416 : i32 to index
      %get3A_418 = arith.constant 48 : index
      %get3A_419 = tpu.vector_load %arg22[%get3A_417, %get3A_418] {strides = array<i32>} : memref<16x64xf32, #tpu.memory_space<vmem>>, vector<16xf32>,
      %max3A_420 = arith.maximumf %max3A_415, %get3A_419 : vector<16xf32>
      %get3A_421 = arith.constant 3 : i32
      %get3A_422 = arith.index_cast %get3A_421 : i32 to index
      %get3A_423 = arith.constant 48 : index
      %get3A_424 = tpu.vector_load %arg22[%get3A_422, %get3A_423] {strides = array<i32>} : memref<16x64xf32, #tpu.memory_space<vmem>>, vector<16xf32>,
      %max3A_425 = arith.maximumf %max3A_420, %get3A_424 : vector<16xf32>
      %get3A_426 = arith.constant 4 : i32
      %get3A_427 = arith.index_cast %get3A_426 : i32 to index
      %get3A_428 = arith.constant 48 : index
      %get3A_429 = tpu.vector_load %arg22[%get3A_427, %get3A_428] {strides = array<i32>} : memref<16x64xf32, #tpu.memory_space<vmem>>, vector<16xf32>,
      %max3A_430 = arith.maximumf %max3A_425, %get3A_429 : vector<16xf32>
      %get3A_431 = arith.constant 5 : i32
      %get3A_432 = arith.index_cast %get3A_431 : i32 to index
      %get3A_433 = arith.constant 48 : index
      %get3A_434 = tpu.vector_load %arg22[%get3A_432, %get3A_433] {strides = array<i32>} : memref<16x64xf32, #tpu.memory_space<vmem>>, vector<16xf32>,
      %max3A_435 = arith.maximumf %max3A_430, %get3A_434 : vector<16xf32>
      %get3A_436 = arith.constant 6 : i32
      %get3A_437 = arith.index_cast %get3A_436 : i32 to index
      %get3A_438 = arith.constant 48 : index
      %get3A_439 = tpu.vector_load %arg22[%get3A_437, %get3A_438] {strides = array<i32>} : memref<16x64xf32, #tpu.memory_space<vmem>>, vector<16xf32>,
      %max3A_440 = arith.maximumf %max3A_435, %get3A_439 : vector<16xf32>
      %get3A_441 = arith.constant 7 : i32
      %get3A_442 = arith.index_cast %get3A_441 : i32 to index
      %get3A_443 = arith.constant 48 : index
      %get3A_444 = tpu.vector_load %arg22[%get3A_442, %get3A_443] {strides = array<i32>} : memref<16x64xf32, #tpu.memory_space<vmem>>, vector<16xf32>,
      %max3A_445 = arith.maximumf %max3A_440, %get3A_444 : vector<16xf32>
      %get3A_446 = arith.constant 8 : i32
      %get3A_447 = arith.index_cast %get3A_446 : i32 to index
      %get3A_448 = arith.constant 48 : index
      %get3A_449 = tpu.vector_load %arg22[%get3A_447, %get3A_448] {strides = array<i32>} : memref<16x64xf32, #tpu.memory_space<vmem>>, vector<16xf32>,
      %max3A_450 = arith.maximumf %max3A_445, %get3A_449 : vector<16xf32>
      %get3A_451 = arith.constant 9 : i32
      %get3A_452 = arith.index_cast %get3A_451 : i32 to index
      %get3A_453 = arith.constant 48 : index
      %get3A_454 = tpu.vector_load %arg22[%get3A_452, %get3A_453] {strides = array<i32>} : memref<16x64xf32, #tpu.memory_space<vmem>>, vector<16xf32>,
      %max3A_455 = arith.maximumf %max3A_450, %get3A_454 : vector<16xf32>
      %get3A_456 = arith.constant 10 : i32
      %get3A_457 = arith.index_cast %get3A_456 : i32 to index
      %get3A_458 = arith.constant 48 : index
      %get3A_459 = tpu.vector_load %arg22[%get3A_457, %get3A_458] {strides = array<i32>} : memref<16x64xf32, #tpu.memory_space<vmem>>, vector<16xf32>,
      %max3A_460 = arith.maximumf %max3A_455, %get3A_459 : vector<16xf32>
      %get3A_461 = arith.constant 11 : i32
      %get3A_462 = arith.index_cast %get3A_461 : i32 to index
      %get3A_463 = arith.constant 48 : index
      %get3A_464 = tpu.vector_load %arg22[%get3A_462, %get3A_463] {strides = array<i32>} : memref<16x64xf32, #tpu.memory_space<vmem>>, vector<16xf32>,
      %max3A_465 = arith.maximumf %max3A_460, %get3A_464 : vector<16xf32>
      %get3A_466 = arith.constant 12 : i32
      %get3A_467 = arith.index_cast %get3A_466 : i32 to index
      %get3A_468 = arith.constant 48 : index
      %get3A_469 = tpu.vector_load %arg22[%get3A_467, %get3A_468] {strides = array<i32>} : memref<16x64xf32, #tpu.memory_space<vmem>>, vector<16xf32>,
      %max3A_470 = arith.maximumf %max3A_465, %get3A_469 : vector<16xf32>
      %get3A_471 = arith.constant 13 : i32
      %get3A_472 = arith.index_cast %get3A_471 : i32 to index
      %get3A_473 = arith.constant 48 : index
      %get3A_474 = tpu.vector_load %arg22[%get3A_472, %get3A_473] {strides = array<i32>} : memref<16x64xf32, #tpu.memory_space<vmem>>, vector<16xf32>,
      %max3A_475 = arith.maximumf %max3A_470, %get3A_474 : vector<16xf32>
      %get3A_476 = arith.constant 14 : i32
      %get3A_477 = arith.index_cast %get3A_476 : i32 to index
      %get3A_478 = arith.constant 48 : index
      %get3A_479 = tpu.vector_load %arg22[%get3A_477, %get3A_478] {strides = array<i32>} : memref<16x64xf32, #tpu.memory_space<vmem>>, vector<16xf32>,
      %max3A_480 = arith.maximumf %max3A_475, %get3A_479 : vector<16xf32>
      %get3A_481 = arith.constant 15 : i32
      %get3A_482 = arith.index_cast %get3A_481 : i32 to index
      %get3A_483 = arith.constant 48 : index
      %get3A_484 = tpu.vector_load %arg22[%get3A_482, %get3A_483] {strides = array<i32>} : memref<16x64xf32, #tpu.memory_space<vmem>>, vector<16xf32>,
      %max3A_485 = arith.maximumf %max3A_480, %get3A_484 : vector<16xf32>
      %jit3A_486 = arith.constant 0.000000e+00 : f32
      %broadcast_in_dim3A_487 = vector.broadcast %jit3A_486 : f32 to vector<16xf32>
      %select_n3A_488 = arith.select %gt3A_144, %max3A_485, %broadcast_in_dim3A_487 : vector<16xi1>, vector<16xf32>
      %add3A_489 = arith.constant 48 : i32
      %add3A_490 = arith.addi %mul3A_149, %add3A_489 : i32
      %swap3A_491 = arith.index_cast %add3A_490 : i32 to index
      %swap3A_492 = tpu.vector_load %arg24[%swap3A_491] {strides = array<i32>} : memref<8192xf32, #tpu.memory_space<vmem>>, vector<16xf32>,
      tpu.vector_store %arg24[%swap3A_491], %select_n3A_488 {strides = array<i32>} : memref<8192xf32, #tpu.memory_space<vmem>>, vector<16xf32>,
      %get3A_493 = arith.constant 0 : i32
      %get3A_494 = arith.index_cast %get3A_493 : i32 to index
      %get3A_495 = arith.constant 0 : index
      %get3A_496 = tpu.vector_load %arg23[%get3A_494, %get3A_495] {strides = array<i32>} : memref<32x64xf32, #tpu.memory_space<vmem>>, vector<16xf32>,
      %get3A_497 = arith.constant 1 : i32
      %get3A_498 = arith.index_cast %get3A_497 : i32 to index
      %get3A_499 = arith.constant 0 : index
      %get3A_500 = tpu.vector_load %arg23[%get3A_498, %get3A_499] {strides = array<i32>} : memref<32x64xf32, #tpu.memory_space<vmem>>, vector<16xf32>,
      %max3A_501 = arith.maximumf %get3A_496, %get3A_500 : vector<16xf32>
      %get3A_502 = arith.constant 2 : i32
      %get3A_503 = arith.index_cast %get3A_502 : i32 to index
      %get3A_504 = arith.constant 0 : index
      %get3A_505 = tpu.vector_load %arg23[%get3A_503, %get3A_504] {strides = array<i32>} : memref<32x64xf32, #tpu.memory_space<vmem>>, vector<16xf32>,
      %max3A_506 = arith.maximumf %max3A_501, %get3A_505 : vector<16xf32>
      %get3A_507 = arith.constant 3 : i32
      %get3A_508 = arith.index_cast %get3A_507 : i32 to index
      %get3A_509 = arith.constant 0 : index
      %get3A_510 = tpu.vector_load %arg23[%get3A_508, %get3A_509] {strides = array<i32>} : memref<32x64xf32, #tpu.memory_space<vmem>>, vector<16xf32>,
      %max3A_511 = arith.maximumf %max3A_506, %get3A_510 : vector<16xf32>
      %get3A_512 = arith.constant 4 : i32
      %get3A_513 = arith.index_cast %get3A_512 : i32 to index
      %get3A_514 = arith.constant 0 : index
      %get3A_515 = tpu.vector_load %arg23[%get3A_513, %get3A_514] {strides = array<i32>} : memref<32x64xf32, #tpu.memory_space<vmem>>, vector<16xf32>,
      %max3A_516 = arith.maximumf %max3A_511, %get3A_515 : vector<16xf32>
      %get3A_517 = arith.constant 5 : i32
      %get3A_518 = arith.index_cast %get3A_517 : i32 to index
      %get3A_519 = arith.constant 0 : index
      %get3A_520 = tpu.vector_load %arg23[%get3A_518, %get3A_519] {strides = array<i32>} : memref<32x64xf32, #tpu.memory_space<vmem>>, vector<16xf32>,
      %max3A_521 = arith.maximumf %max3A_516, %get3A_520 : vector<16xf32>
      %get3A_522 = arith.constant 6 : i32
      %get3A_523 = arith.index_cast %get3A_522 : i32 to index
      %get3A_524 = arith.constant 0 : index
      %get3A_525 = tpu.vector_load %arg23[%get3A_523, %get3A_524] {strides = array<i32>} : memref<32x64xf32, #tpu.memory_space<vmem>>, vector<16xf32>,
      %max3A_526 = arith.maximumf %max3A_521, %get3A_525 : vector<16xf32>
      %get3A_527 = arith.constant 7 : i32
      %get3A_528 = arith.index_cast %get3A_527 : i32 to index
      %get3A_529 = arith.constant 0 : index
      %get3A_530 = tpu.vector_load %arg23[%get3A_528, %get3A_529] {strides = array<i32>} : memref<32x64xf32, #tpu.memory_space<vmem>>, vector<16xf32>,
      %max3A_531 = arith.maximumf %max3A_526, %get3A_530 : vector<16xf32>
      %get3A_532 = arith.constant 8 : i32
      %get3A_533 = arith.index_cast %get3A_532 : i32 to index
      %get3A_534 = arith.constant 0 : index
      %get3A_535 = tpu.vector_load %arg23[%get3A_533, %get3A_534] {strides = array<i32>} : memref<32x64xf32, #tpu.memory_space<vmem>>, vector<16xf32>,
      %max3A_536 = arith.maximumf %max3A_531, %get3A_535 : vector<16xf32>
      %get3A_537 = arith.constant 9 : i32
      %get3A_538 = arith.index_cast %get3A_537 : i32 to index
      %get3A_539 = arith.constant 0 : index
      %get3A_540 = tpu.vector_load %arg23[%get3A_538, %get3A_539] {strides = array<i32>} : memref<32x64xf32, #tpu.memory_space<vmem>>, vector<16xf32>,
      %max3A_541 = arith.maximumf %max3A_536, %get3A_540 : vector<16xf32>
      %get3A_542 = arith.constant 10 : i32
      %get3A_543 = arith.index_cast %get3A_542 : i32 to index
      %get3A_544 = arith.constant 0 : index
      %get3A_545 = tpu.vector_load %arg23[%get3A_543, %get3A_544] {strides = array<i32>} : memref<32x64xf32, #tpu.memory_space<vmem>>, vector<16xf32>,
      %max3A_546 = arith.maximumf %max3A_541, %get3A_545 : vector<16xf32>
      %get3A_547 = arith.constant 11 : i32
      %get3A_548 = arith.index_cast %get3A_547 : i32 to index
      %get3A_549 = arith.constant 0 : index
      %get3A_550 = tpu.vector_load %arg23[%get3A_548, %get3A_549] {strides = array<i32>} : memref<32x64xf32, #tpu.memory_space<vmem>>, vector<16xf32>,
      %max3A_551 = arith.maximumf %max3A_546, %get3A_550 : vector<16xf32>
      %get3A_552 = arith.constant 12 : i32
      %get3A_553 = arith.index_cast %get3A_552 : i32 to index
      %get3A_554 = arith.constant 0 : index
      %get3A_555 = tpu.vector_load %arg23[%get3A_553, %get3A_554] {strides = array<i32>} : memref<32x64xf32, #tpu.memory_space<vmem>>, vector<16xf32>,
      %max3A_556 = arith.maximumf %max3A_551, %get3A_555 : vector<16xf32>
      %get3A_557 = arith.constant 13 : i32
      %get3A_558 = arith.index_cast %get3A_557 : i32 to index
      %get3A_559 = arith.constant 0 : index
      %get3A_560 = tpu.vector_load %arg23[%get3A_558, %get3A_559] {strides = array<i32>} : memref<32x64xf32, #tpu.memory_space<vmem>>, vector<16xf32>,
      %max3A_561 = arith.maximumf %max3A_556, %get3A_560 : vector<16xf32>
      %get3A_562 = arith.constant 14 : i32
      %get3A_563 = arith.index_cast %get3A_562 : i32 to index
      %get3A_564 = arith.constant 0 : index
      %get3A_565 = tpu.vector_load %arg23[%get3A_563, %get3A_564] {strides = array<i32>} : memref<32x64xf32, #tpu.memory_space<vmem>>, vector<16xf32>,
      %max3A_566 = arith.maximumf %max3A_561, %get3A_565 : vector<16xf32>
      %get3A_567 = arith.constant 15 : i32
      %get3A_568 = arith.index_cast %get3A_567 : i32 to index
      %get3A_569 = arith.constant 0 : index
      %get3A_570 = tpu.vector_load %arg23[%get3A_568, %get3A_569] {strides = array<i32>} : memref<32x64xf32, #tpu.memory_space<vmem>>, vector<16xf32>,
      %max3A_571 = arith.maximumf %max3A_566, %get3A_570 : vector<16xf32>
      %get3A_572 = arith.constant 16 : i32
      %get3A_573 = arith.index_cast %get3A_572 : i32 to index
      %get3A_574 = arith.constant 0 : index
      %get3A_575 = tpu.vector_load %arg23[%get3A_573, %get3A_574] {strides = array<i32>} : memref<32x64xf32, #tpu.memory_space<vmem>>, vector<16xf32>,
      %max3A_576 = arith.maximumf %max3A_571, %get3A_575 : vector<16xf32>
      %get3A_577 = arith.constant 17 : i32
      %get3A_578 = arith.index_cast %get3A_577 : i32 to index
      %get3A_579 = arith.constant 0 : index
      %get3A_580 = tpu.vector_load %arg23[%get3A_578, %get3A_579] {strides = array<i32>} : memref<32x64xf32, #tpu.memory_space<vmem>>, vector<16xf32>,
      %max3A_581 = arith.maximumf %max3A_576, %get3A_580 : vector<16xf32>
      %get3A_582 = arith.constant 18 : i32
      %get3A_583 = arith.index_cast %get3A_582 : i32 to index
      %get3A_584 = arith.constant 0 : index
      %get3A_585 = tpu.vector_load %arg23[%get3A_583, %get3A_584] {strides = array<i32>} : memref<32x64xf32, #tpu.memory_space<vmem>>, vector<16xf32>,
      %max3A_586 = arith.maximumf %max3A_581, %get3A_585 : vector<16xf32>
      %get3A_587 = arith.constant 19 : i32
      %get3A_588 = arith.index_cast %get3A_587 : i32 to index
      %get3A_589 = arith.constant 0 : index
      %get3A_590 = tpu.vector_load %arg23[%get3A_588, %get3A_589] {strides = array<i32>} : memref<32x64xf32, #tpu.memory_space<vmem>>, vector<16xf32>,
      %max3A_591 = arith.maximumf %max3A_586, %get3A_590 : vector<16xf32>
      %get3A_592 = arith.constant 20 : i32
      %get3A_593 = arith.index_cast %get3A_592 : i32 to index
      %get3A_594 = arith.constant 0 : index
      %get3A_595 = tpu.vector_load %arg23[%get3A_593, %get3A_594] {strides = array<i32>} : memref<32x64xf32, #tpu.memory_space<vmem>>, vector<16xf32>,
      %max3A_596 = arith.maximumf %max3A_591, %get3A_595 : vector<16xf32>
      %get3A_597 = arith.constant 21 : i32
      %get3A_598 = arith.index_cast %get3A_597 : i32 to index
      %get3A_599 = arith.constant 0 : index
      %get3A_600 = tpu.vector_load %arg23[%get3A_598, %get3A_599] {strides = array<i32>} : memref<32x64xf32, #tpu.memory_space<vmem>>, vector<16xf32>,
      %max3A_601 = arith.maximumf %max3A_596, %get3A_600 : vector<16xf32>
      %get3A_602 = arith.constant 22 : i32
      %get3A_603 = arith.index_cast %get3A_602 : i32 to index
      %get3A_604 = arith.constant 0 : index
      %get3A_605 = tpu.vector_load %arg23[%get3A_603, %get3A_604] {strides = array<i32>} : memref<32x64xf32, #tpu.memory_space<vmem>>, vector<16xf32>,
      %max3A_606 = arith.maximumf %max3A_601, %get3A_605 : vector<16xf32>
      %get3A_607 = arith.constant 23 : i32
      %get3A_608 = arith.index_cast %get3A_607 : i32 to index
      %get3A_609 = arith.constant 0 : index
      %get3A_610 = tpu.vector_load %arg23[%get3A_608, %get3A_609] {strides = array<i32>} : memref<32x64xf32, #tpu.memory_space<vmem>>, vector<16xf32>,
      %max3A_611 = arith.maximumf %max3A_606, %get3A_610 : vector<16xf32>
      %get3A_612 = arith.constant 24 : i32
      %get3A_613 = arith.index_cast %get3A_612 : i32 to index
      %get3A_614 = arith.constant 0 : index
      %get3A_615 = tpu.vector_load %arg23[%get3A_613, %get3A_614] {strides = array<i32>} : memref<32x64xf32, #tpu.memory_space<vmem>>, vector<16xf32>,
      %max3A_616 = arith.maximumf %max3A_611, %get3A_615 : vector<16xf32>
      %get3A_617 = arith.constant 25 : i32
      %get3A_618 = arith.index_cast %get3A_617 : i32 to index
      %get3A_619 = arith.constant 0 : index
      %get3A_620 = tpu.vector_load %arg23[%get3A_618, %get3A_619] {strides = array<i32>} : memref<32x64xf32, #tpu.memory_space<vmem>>, vector<16xf32>,
      %max3A_621 = arith.maximumf %max3A_616, %get3A_620 : vector<16xf32>
      %get3A_622 = arith.constant 26 : i32
      %get3A_623 = arith.index_cast %get3A_622 : i32 to index
      %get3A_624 = arith.constant 0 : index
      %get3A_625 = tpu.vector_load %arg23[%get3A_623, %get3A_624] {strides = array<i32>} : memref<32x64xf32, #tpu.memory_space<vmem>>, vector<16xf32>,
      %max3A_626 = arith.maximumf %max3A_621, %get3A_625 : vector<16xf32>
      %get3A_627 = arith.constant 27 : i32
      %get3A_628 = arith.index_cast %get3A_627 : i32 to index
      %get3A_629 = arith.constant 0 : index
      %get3A_630 = tpu.vector_load %arg23[%get3A_628, %get3A_629] {strides = array<i32>} : memref<32x64xf32, #tpu.memory_space<vmem>>, vector<16xf32>,
      %max3A_631 = arith.maximumf %max3A_626, %get3A_630 : vector<16xf32>
      %get3A_632 = arith.constant 28 : i32
      %get3A_633 = arith.index_cast %get3A_632 : i32 to index
      %get3A_634 = arith.constant 0 : index
      %get3A_635 = tpu.vector_load %arg23[%get3A_633, %get3A_634] {strides = array<i32>} : memref<32x64xf32, #tpu.memory_space<vmem>>, vector<16xf32>,
      %max3A_636 = arith.maximumf %max3A_631, %get3A_635 : vector<16xf32>
      %get3A_637 = arith.constant 29 : i32
      %get3A_638 = arith.index_cast %get3A_637 : i32 to index
      %get3A_639 = arith.constant 0 : index
      %get3A_640 = tpu.vector_load %arg23[%get3A_638, %get3A_639] {strides = array<i32>} : memref<32x64xf32, #tpu.memory_space<vmem>>, vector<16xf32>,
      %max3A_641 = arith.maximumf %max3A_636, %get3A_640 : vector<16xf32>
      %get3A_642 = arith.constant 30 : i32
      %get3A_643 = arith.index_cast %get3A_642 : i32 to index
      %get3A_644 = arith.constant 0 : index
      %get3A_645 = tpu.vector_load %arg23[%get3A_643, %get3A_644] {strides = array<i32>} : memref<32x64xf32, #tpu.memory_space<vmem>>, vector<16xf32>,
      %max3A_646 = arith.maximumf %max3A_641, %get3A_645 : vector<16xf32>
      %get3A_647 = arith.constant 31 : i32
      %get3A_648 = arith.index_cast %get3A_647 : i32 to index
      %get3A_649 = arith.constant 0 : index
      %get3A_650 = tpu.vector_load %arg23[%get3A_648, %get3A_649] {strides = array<i32>} : memref<32x64xf32, #tpu.memory_space<vmem>>, vector<16xf32>,
      %max3A_651 = arith.maximumf %max3A_646, %get3A_650 : vector<16xf32>
      %jit3A_652 = arith.constant 0.000000e+00 : f32
      %broadcast_in_dim3A_653 = vector.broadcast %jit3A_652 : f32 to vector<16xf32>
      %select_n3A_654 = arith.select %gt3A_147, %max3A_651, %broadcast_in_dim3A_653 : vector<16xi1>, vector<16xf32>
      %add3A_655 = arith.constant 64 : i32
      %add3A_656 = arith.addi %add3A_655, %mul3A_149 : i32
      %add3A_657 = arith.constant 0 : i32
      %add3A_658 = arith.addi %add3A_656, %add3A_657 : i32
      %swap3A_659 = arith.index_cast %add3A_658 : i32 to index
      %swap3A_660 = tpu.vector_load %arg24[%swap3A_659] {strides = array<i32>} : memref<8192xf32, #tpu.memory_space<vmem>>, vector<16xf32>,
      tpu.vector_store %arg24[%swap3A_659], %select_n3A_654 {strides = array<i32>} : memref<8192xf32, #tpu.memory_space<vmem>>, vector<16xf32>,
      %get3A_661 = arith.constant 0 : i32
      %get3A_662 = arith.index_cast %get3A_661 : i32 to index
      %get3A_663 = arith.constant 16 : index
      %get3A_664 = tpu.vector_load %arg23[%get3A_662, %get3A_663] {strides = array<i32>} : memref<32x64xf32, #tpu.memory_space<vmem>>, vector<16xf32>,
      %get3A_665 = arith.constant 1 : i32
      %get3A_666 = arith.index_cast %get3A_665 : i32 to index
      %get3A_667 = arith.constant 16 : index
      %get3A_668 = tpu.vector_load %arg23[%get3A_666, %get3A_667] {strides = array<i32>} : memref<32x64xf32, #tpu.memory_space<vmem>>, vector<16xf32>,
      %max3A_669 = arith.maximumf %get3A_664, %get3A_668 : vector<16xf32>
      %get3A_670 = arith.constant 2 : i32
      %get3A_671 = arith.index_cast %get3A_670 : i32 to index
      %get3A_672 = arith.constant 16 : index
      %get3A_673 = tpu.vector_load %arg23[%get3A_671, %get3A_672] {strides = array<i32>} : memref<32x64xf32, #tpu.memory_space<vmem>>, vector<16xf32>,
      %max3A_674 = arith.maximumf %max3A_669, %get3A_673 : vector<16xf32>
      %get3A_675 = arith.constant 3 : i32
      %get3A_676 = arith.index_cast %get3A_675 : i32 to index
      %get3A_677 = arith.constant 16 : index
      %get3A_678 = tpu.vector_load %arg23[%get3A_676, %get3A_677] {strides = array<i32>} : memref<32x64xf32, #tpu.memory_space<vmem>>, vector<16xf32>,
      %max3A_679 = arith.maximumf %max3A_674, %get3A_678 : vector<16xf32>
      %get3A_680 = arith.constant 4 : i32
      %get3A_681 = arith.index_cast %get3A_680 : i32 to index
      %get3A_682 = arith.constant 16 : index
      %get3A_683 = tpu.vector_load %arg23[%get3A_681, %get3A_682] {strides = array<i32>} : memref<32x64xf32, #tpu.memory_space<vmem>>, vector<16xf32>,
      %max3A_684 = arith.maximumf %max3A_679, %get3A_683 : vector<16xf32>
      %get3A_685 = arith.constant 5 : i32
      %get3A_686 = arith.index_cast %get3A_685 : i32 to index
      %get3A_687 = arith.constant 16 : index
      %get3A_688 = tpu.vector_load %arg23[%get3A_686, %get3A_687] {strides = array<i32>} : memref<32x64xf32, #tpu.memory_space<vmem>>, vector<16xf32>,
      %max3A_689 = arith.maximumf %max3A_684, %get3A_688 : vector<16xf32>
      %get3A_690 = arith.constant 6 : i32
      %get3A_691 = arith.index_cast %get3A_690 : i32 to index
      %get3A_692 = arith.constant 16 : index
      %get3A_693 = tpu.vector_load %arg23[%get3A_691, %get3A_692] {strides = array<i32>} : memref<32x64xf32, #tpu.memory_space<vmem>>, vector<16xf32>,
      %max3A_694 = arith.maximumf %max3A_689, %get3A_693 : vector<16xf32>
      %get3A_695 = arith.constant 7 : i32
      %get3A_696 = arith.index_cast %get3A_695 : i32 to index
      %get3A_697 = arith.constant 16 : index
      %get3A_698 = tpu.vector_load %arg23[%get3A_696, %get3A_697] {strides = array<i32>} : memref<32x64xf32, #tpu.memory_space<vmem>>, vector<16xf32>,
      %max3A_699 = arith.maximumf %max3A_694, %get3A_698 : vector<16xf32>
      %get3A_700 = arith.constant 8 : i32
      %get3A_701 = arith.index_cast %get3A_700 : i32 to index
      %get3A_702 = arith.constant 16 : index
      %get3A_703 = tpu.vector_load %arg23[%get3A_701, %get3A_702] {strides = array<i32>} : memref<32x64xf32, #tpu.memory_space<vmem>>, vector<16xf32>,
      %max3A_704 = arith.maximumf %max3A_699, %get3A_703 : vector<16xf32>
      %get3A_705 = arith.constant 9 : i32
      %get3A_706 = arith.index_cast %get3A_705 : i32 to index
      %get3A_707 = arith.constant 16 : index
      %get3A_708 = tpu.vector_load %arg23[%get3A_706, %get3A_707] {strides = array<i32>} : memref<32x64xf32, #tpu.memory_space<vmem>>, vector<16xf32>,
      %max3A_709 = arith.maximumf %max3A_704, %get3A_708 : vector<16xf32>
      %get3A_710 = arith.constant 10 : i32
      %get3A_711 = arith.index_cast %get3A_710 : i32 to index
      %get3A_712 = arith.constant 16 : index
      %get3A_713 = tpu.vector_load %arg23[%get3A_711, %get3A_712] {strides = array<i32>} : memref<32x64xf32, #tpu.memory_space<vmem>>, vector<16xf32>,
      %max3A_714 = arith.maximumf %max3A_709, %get3A_713 : vector<16xf32>
      %get3A_715 = arith.constant 11 : i32
      %get3A_716 = arith.index_cast %get3A_715 : i32 to index
      %get3A_717 = arith.constant 16 : index
      %get3A_718 = tpu.vector_load %arg23[%get3A_716, %get3A_717] {strides = array<i32>} : memref<32x64xf32, #tpu.memory_space<vmem>>, vector<16xf32>,
      %max3A_719 = arith.maximumf %max3A_714, %get3A_718 : vector<16xf32>
      %get3A_720 = arith.constant 12 : i32
      %get3A_721 = arith.index_cast %get3A_720 : i32 to index
      %get3A_722 = arith.constant 16 : index
      %get3A_723 = tpu.vector_load %arg23[%get3A_721, %get3A_722] {strides = array<i32>} : memref<32x64xf32, #tpu.memory_space<vmem>>, vector<16xf32>,
      %max3A_724 = arith.maximumf %max3A_719, %get3A_723 : vector<16xf32>
      %get3A_725 = arith.constant 13 : i32
      %get3A_726 = arith.index_cast %get3A_725 : i32 to index
      %get3A_727 = arith.constant 16 : index
      %get3A_728 = tpu.vector_load %arg23[%get3A_726, %get3A_727] {strides = array<i32>} : memref<32x64xf32, #tpu.memory_space<vmem>>, vector<16xf32>,
      %max3A_729 = arith.maximumf %max3A_724, %get3A_728 : vector<16xf32>
      %get3A_730 = arith.constant 14 : i32
      %get3A_731 = arith.index_cast %get3A_730 : i32 to index
      %get3A_732 = arith.constant 16 : index
      %get3A_733 = tpu.vector_load %arg23[%get3A_731, %get3A_732] {strides = array<i32>} : memref<32x64xf32, #tpu.memory_space<vmem>>, vector<16xf32>,
      %max3A_734 = arith.maximumf %max3A_729, %get3A_733 : vector<16xf32>
      %get3A_735 = arith.constant 15 : i32
      %get3A_736 = arith.index_cast %get3A_735 : i32 to index
      %get3A_737 = arith.constant 16 : index
      %get3A_738 = tpu.vector_load %arg23[%get3A_736, %get3A_737] {strides = array<i32>} : memref<32x64xf32, #tpu.memory_space<vmem>>, vector<16xf32>,
      %max3A_739 = arith.maximumf %max3A_734, %get3A_738 : vector<16xf32>
      %get3A_740 = arith.constant 16 : i32
      %get3A_741 = arith.index_cast %get3A_740 : i32 to index
      %get3A_742 = arith.constant 16 : index
      %get3A_743 = tpu.vector_load %arg23[%get3A_741, %get3A_742] {strides = array<i32>} : memref<32x64xf32, #tpu.memory_space<vmem>>, vector<16xf32>,
      %max3A_744 = arith.maximumf %max3A_739, %get3A_743 : vector<16xf32>
      %get3A_745 = arith.constant 17 : i32
      %get3A_746 = arith.index_cast %get3A_745 : i32 to index
      %get3A_747 = arith.constant 16 : index
      %get3A_748 = tpu.vector_load %arg23[%get3A_746, %get3A_747] {strides = array<i32>} : memref<32x64xf32, #tpu.memory_space<vmem>>, vector<16xf32>,
      %max3A_749 = arith.maximumf %max3A_744, %get3A_748 : vector<16xf32>
      %get3A_750 = arith.constant 18 : i32
      %get3A_751 = arith.index_cast %get3A_750 : i32 to index
      %get3A_752 = arith.constant 16 : index
      %get3A_753 = tpu.vector_load %arg23[%get3A_751, %get3A_752] {strides = array<i32>} : memref<32x64xf32, #tpu.memory_space<vmem>>, vector<16xf32>,
      %max3A_754 = arith.maximumf %max3A_749, %get3A_753 : vector<16xf32>
      %get3A_755 = arith.constant 19 : i32
      %get3A_756 = arith.index_cast %get3A_755 : i32 to index
      %get3A_757 = arith.constant 16 : index
      %get3A_758 = tpu.vector_load %arg23[%get3A_756, %get3A_757] {strides = array<i32>} : memref<32x64xf32, #tpu.memory_space<vmem>>, vector<16xf32>,
      %max3A_759 = arith.maximumf %max3A_754, %get3A_758 : vector<16xf32>
      %get3A_760 = arith.constant 20 : i32
      %get3A_761 = arith.index_cast %get3A_760 : i32 to index
      %get3A_762 = arith.constant 16 : index
      %get3A_763 = tpu.vector_load %arg23[%get3A_761, %get3A_762] {strides = array<i32>} : memref<32x64xf32, #tpu.memory_space<vmem>>, vector<16xf32>,
      %max3A_764 = arith.maximumf %max3A_759, %get3A_763 : vector<16xf32>
      %get3A_765 = arith.constant 21 : i32
      %get3A_766 = arith.index_cast %get3A_765 : i32 to index
      %get3A_767 = arith.constant 16 : index
      %get3A_768 = tpu.vector_load %arg23[%get3A_766, %get3A_767] {strides = array<i32>} : memref<32x64xf32, #tpu.memory_space<vmem>>, vector<16xf32>,
      %max3A_769 = arith.maximumf %max3A_764, %get3A_768 : vector<16xf32>
      %get3A_770 = arith.constant 22 : i32
      %get3A_771 = arith.index_cast %get3A_770 : i32 to index
      %get3A_772 = arith.constant 16 : index
      %get3A_773 = tpu.vector_load %arg23[%get3A_771, %get3A_772] {strides = array<i32>} : memref<32x64xf32, #tpu.memory_space<vmem>>, vector<16xf32>,
      %max3A_774 = arith.maximumf %max3A_769, %get3A_773 : vector<16xf32>
      %get3A_775 = arith.constant 23 : i32
      %get3A_776 = arith.index_cast %get3A_775 : i32 to index
      %get3A_777 = arith.constant 16 : index
      %get3A_778 = tpu.vector_load %arg23[%get3A_776, %get3A_777] {strides = array<i32>} : memref<32x64xf32, #tpu.memory_space<vmem>>, vector<16xf32>,
      %max3A_779 = arith.maximumf %max3A_774, %get3A_778 : vector<16xf32>
      %get3A_780 = arith.constant 24 : i32
      %get3A_781 = arith.index_cast %get3A_780 : i32 to index
      %get3A_782 = arith.constant 16 : index
      %get3A_783 = tpu.vector_load %arg23[%get3A_781, %get3A_782] {strides = array<i32>} : memref<32x64xf32, #tpu.memory_space<vmem>>, vector<16xf32>,
      %max3A_784 = arith.maximumf %max3A_779, %get3A_783 : vector<16xf32>
      %get3A_785 = arith.constant 25 : i32
      %get3A_786 = arith.index_cast %get3A_785 : i32 to index
      %get3A_787 = arith.constant 16 : index
      %get3A_788 = tpu.vector_load %arg23[%get3A_786, %get3A_787] {strides = array<i32>} : memref<32x64xf32, #tpu.memory_space<vmem>>, vector<16xf32>,
      %max3A_789 = arith.maximumf %max3A_784, %get3A_788 : vector<16xf32>
      %get3A_790 = arith.constant 26 : i32
      %get3A_791 = arith.index_cast %get3A_790 : i32 to index
      %get3A_792 = arith.constant 16 : index
      %get3A_793 = tpu.vector_load %arg23[%get3A_791, %get3A_792] {strides = array<i32>} : memref<32x64xf32, #tpu.memory_space<vmem>>, vector<16xf32>,
      %max3A_794 = arith.maximumf %max3A_789, %get3A_793 : vector<16xf32>
      %get3A_795 = arith.constant 27 : i32
      %get3A_796 = arith.index_cast %get3A_795 : i32 to index
      %get3A_797 = arith.constant 16 : index
      %get3A_798 = tpu.vector_load %arg23[%get3A_796, %get3A_797] {strides = array<i32>} : memref<32x64xf32, #tpu.memory_space<vmem>>, vector<16xf32>,
      %max3A_799 = arith.maximumf %max3A_794, %get3A_798 : vector<16xf32>
      %get3A_800 = arith.constant 28 : i32
      %get3A_801 = arith.index_cast %get3A_800 : i32 to index
      %get3A_802 = arith.constant 16 : index
      %get3A_803 = tpu.vector_load %arg23[%get3A_801, %get3A_802] {strides = array<i32>} : memref<32x64xf32, #tpu.memory_space<vmem>>, vector<16xf32>,
      %max3A_804 = arith.maximumf %max3A_799, %get3A_803 : vector<16xf32>
      %get3A_805 = arith.constant 29 : i32
      %get3A_806 = arith.index_cast %get3A_805 : i32 to index
      %get3A_807 = arith.constant 16 : index
      %get3A_808 = tpu.vector_load %arg23[%get3A_806, %get3A_807] {strides = array<i32>} : memref<32x64xf32, #tpu.memory_space<vmem>>, vector<16xf32>,
      %max3A_809 = arith.maximumf %max3A_804, %get3A_808 : vector<16xf32>
      %get3A_810 = arith.constant 30 : i32
      %get3A_811 = arith.index_cast %get3A_810 : i32 to index
      %get3A_812 = arith.constant 16 : index
      %get3A_813 = tpu.vector_load %arg23[%get3A_811, %get3A_812] {strides = array<i32>} : memref<32x64xf32, #tpu.memory_space<vmem>>, vector<16xf32>,
      %max3A_814 = arith.maximumf %max3A_809, %get3A_813 : vector<16xf32>
      %get3A_815 = arith.constant 31 : i32
      %get3A_816 = arith.index_cast %get3A_815 : i32 to index
      %get3A_817 = arith.constant 16 : index
      %get3A_818 = tpu.vector_load %arg23[%get3A_816, %get3A_817] {strides = array<i32>} : memref<32x64xf32, #tpu.memory_space<vmem>>, vector<16xf32>,
      %max3A_819 = arith.maximumf %max3A_814, %get3A_818 : vector<16xf32>
      %jit3A_820 = arith.constant 0.000000e+00 : f32
      %broadcast_in_dim3A_821 = vector.broadcast %jit3A_820 : f32 to vector<16xf32>
      %select_n3A_822 = arith.select %gt3A_147, %max3A_819, %broadcast_in_dim3A_821 : vector<16xi1>, vector<16xf32>
      %add3A_823 = arith.constant 64 : i32
      %add3A_824 = arith.addi %add3A_823, %mul3A_149 : i32
      %add3A_825 = arith.constant 16 : i32
      %add3A_826 = arith.addi %add3A_824, %add3A_825 : i32
      %swap3A_827 = arith.index_cast %add3A_826 : i32 to index
      %swap3A_828 = tpu.vector_load %arg24[%swap3A_827] {strides = array<i32>} : memref<8192xf32, #tpu.memory_space<vmem>>, vector<16xf32>,
      tpu.vector_store %arg24[%swap3A_827], %select_n3A_822 {strides = array<i32>} : memref<8192xf32, #tpu.memory_space<vmem>>, vector<16xf32>,
      %get3A_829 = arith.constant 0 : i32
      %get3A_830 = arith.index_cast %get3A_829 : i32 to index
      %get3A_831 = arith.constant 32 : index
      %get3A_832 = tpu.vector_load %arg23[%get3A_830, %get3A_831] {strides = array<i32>} : memref<32x64xf32, #tpu.memory_space<vmem>>, vector<16xf32>,
      %get3A_833 = arith.constant 1 : i32
      %get3A_834 = arith.index_cast %get3A_833 : i32 to index
      %get3A_835 = arith.constant 32 : index
      %get3A_836 = tpu.vector_load %arg23[%get3A_834, %get3A_835] {strides = array<i32>} : memref<32x64xf32, #tpu.memory_space<vmem>>, vector<16xf32>,
      %max3A_837 = arith.maximumf %get3A_832, %get3A_836 : vector<16xf32>
      %get3A_838 = arith.constant 2 : i32
      %get3A_839 = arith.index_cast %get3A_838 : i32 to index
      %get3A_840 = arith.constant 32 : index
      %get3A_841 = tpu.vector_load %arg23[%get3A_839, %get3A_840] {strides = array<i32>} : memref<32x64xf32, #tpu.memory_space<vmem>>, vector<16xf32>,
      %max3A_842 = arith.maximumf %max3A_837, %get3A_841 : vector<16xf32>
      %get3A_843 = arith.constant 3 : i32
      %get3A_844 = arith.index_cast %get3A_843 : i32 to index
      %get3A_845 = arith.constant 32 : index
      %get3A_846 = tpu.vector_load %arg23[%get3A_844, %get3A_845] {strides = array<i32>} : memref<32x64xf32, #tpu.memory_space<vmem>>, vector<16xf32>,
      %max3A_847 = arith.maximumf %max3A_842, %get3A_846 : vector<16xf32>
      %get3A_848 = arith.constant 4 : i32
      %get3A_849 = arith.index_cast %get3A_848 : i32 to index
      %get3A_850 = arith.constant 32 : index
      %get3A_851 = tpu.vector_load %arg23[%get3A_849, %get3A_850] {strides = array<i32>} : memref<32x64xf32, #tpu.memory_space<vmem>>, vector<16xf32>,
      %max3A_852 = arith.maximumf %max3A_847, %get3A_851 : vector<16xf32>
      %get3A_853 = arith.constant 5 : i32
      %get3A_854 = arith.index_cast %get3A_853 : i32 to index
      %get3A_855 = arith.constant 32 : index
      %get3A_856 = tpu.vector_load %arg23[%get3A_854, %get3A_855] {strides = array<i32>} : memref<32x64xf32, #tpu.memory_space<vmem>>, vector<16xf32>,
      %max3A_857 = arith.maximumf %max3A_852, %get3A_856 : vector<16xf32>
      %get3A_858 = arith.constant 6 : i32
      %get3A_859 = arith.index_cast %get3A_858 : i32 to index
      %get3A_860 = arith.constant 32 : index
      %get3A_861 = tpu.vector_load %arg23[%get3A_859, %get3A_860] {strides = array<i32>} : memref<32x64xf32, #tpu.memory_space<vmem>>, vector<16xf32>,
      %max3A_862 = arith.maximumf %max3A_857, %get3A_861 : vector<16xf32>
      %get3A_863 = arith.constant 7 : i32
      %get3A_864 = arith.index_cast %get3A_863 : i32 to index
      %get3A_865 = arith.constant 32 : index
      %get3A_866 = tpu.vector_load %arg23[%get3A_864, %get3A_865] {strides = array<i32>} : memref<32x64xf32, #tpu.memory_space<vmem>>, vector<16xf32>,
      %max3A_867 = arith.maximumf %max3A_862, %get3A_866 : vector<16xf32>
      %get3A_868 = arith.constant 8 : i32
      %get3A_869 = arith.index_cast %get3A_868 : i32 to index
      %get3A_870 = arith.constant 32 : index
      %get3A_871 = tpu.vector_load %arg23[%get3A_869, %get3A_870] {strides = array<i32>} : memref<32x64xf32, #tpu.memory_space<vmem>>, vector<16xf32>,
      %max3A_872 = arith.maximumf %max3A_867, %get3A_871 : vector<16xf32>
      %get3A_873 = arith.constant 9 : i32
      %get3A_874 = arith.index_cast %get3A_873 : i32 to index
      %get3A_875 = arith.constant 32 : index
      %get3A_876 = tpu.vector_load %arg23[%get3A_874, %get3A_875] {strides = array<i32>} : memref<32x64xf32, #tpu.memory_space<vmem>>, vector<16xf32>,
      %max3A_877 = arith.maximumf %max3A_872, %get3A_876 : vector<16xf32>
      %get3A_878 = arith.constant 10 : i32
      %get3A_879 = arith.index_cast %get3A_878 : i32 to index
      %get3A_880 = arith.constant 32 : index
      %get3A_881 = tpu.vector_load %arg23[%get3A_879, %get3A_880] {strides = array<i32>} : memref<32x64xf32, #tpu.memory_space<vmem>>, vector<16xf32>,
      %max3A_882 = arith.maximumf %max3A_877, %get3A_881 : vector<16xf32>
      %get3A_883 = arith.constant 11 : i32
      %get3A_884 = arith.index_cast %get3A_883 : i32 to index
      %get3A_885 = arith.constant 32 : index
      %get3A_886 = tpu.vector_load %arg23[%get3A_884, %get3A_885] {strides = array<i32>} : memref<32x64xf32, #tpu.memory_space<vmem>>, vector<16xf32>,
      %max3A_887 = arith.maximumf %max3A_882, %get3A_886 : vector<16xf32>
      %get3A_888 = arith.constant 12 : i32
      %get3A_889 = arith.index_cast %get3A_888 : i32 to index
      %get3A_890 = arith.constant 32 : index
      %get3A_891 = tpu.vector_load %arg23[%get3A_889, %get3A_890] {strides = array<i32>} : memref<32x64xf32, #tpu.memory_space<vmem>>, vector<16xf32>,
      %max3A_892 = arith.maximumf %max3A_887, %get3A_891 : vector<16xf32>
      %get3A_893 = arith.constant 13 : i32
      %get3A_894 = arith.index_cast %get3A_893 : i32 to index
      %get3A_895 = arith.constant 32 : index
      %get3A_896 = tpu.vector_load %arg23[%get3A_894, %get3A_895] {strides = array<i32>} : memref<32x64xf32, #tpu.memory_space<vmem>>, vector<16xf32>,
      %max3A_897 = arith.maximumf %max3A_892, %get3A_896 : vector<16xf32>
      %get3A_898 = arith.constant 14 : i32
      %get3A_899 = arith.index_cast %get3A_898 : i32 to index
      %get3A_900 = arith.constant 32 : index
      %get3A_901 = tpu.vector_load %arg23[%get3A_899, %get3A_900] {strides = array<i32>} : memref<32x64xf32, #tpu.memory_space<vmem>>, vector<16xf32>,
      %max3A_902 = arith.maximumf %max3A_897, %get3A_901 : vector<16xf32>
      %get3A_903 = arith.constant 15 : i32
      %get3A_904 = arith.index_cast %get3A_903 : i32 to index
      %get3A_905 = arith.constant 32 : index
      %get3A_906 = tpu.vector_load %arg23[%get3A_904, %get3A_905] {strides = array<i32>} : memref<32x64xf32, #tpu.memory_space<vmem>>, vector<16xf32>,
      %max3A_907 = arith.maximumf %max3A_902, %get3A_906 : vector<16xf32>
      %get3A_908 = arith.constant 16 : i32
      %get3A_909 = arith.index_cast %get3A_908 : i32 to index
      %get3A_910 = arith.constant 32 : index
      %get3A_911 = tpu.vector_load %arg23[%get3A_909, %get3A_910] {strides = array<i32>} : memref<32x64xf32, #tpu.memory_space<vmem>>, vector<16xf32>,
      %max3A_912 = arith.maximumf %max3A_907, %get3A_911 : vector<16xf32>
      %get3A_913 = arith.constant 17 : i32
      %get3A_914 = arith.index_cast %get3A_913 : i32 to index
      %get3A_915 = arith.constant 32 : index
      %get3A_916 = tpu.vector_load %arg23[%get3A_914, %get3A_915] {strides = array<i32>} : memref<32x64xf32, #tpu.memory_space<vmem>>, vector<16xf32>,
      %max3A_917 = arith.maximumf %max3A_912, %get3A_916 : vector<16xf32>
      %get3A_918 = arith.constant 18 : i32
      %get3A_919 = arith.index_cast %get3A_918 : i32 to index
      %get3A_920 = arith.constant 32 : index
      %get3A_921 = tpu.vector_load %arg23[%get3A_919, %get3A_920] {strides = array<i32>} : memref<32x64xf32, #tpu.memory_space<vmem>>, vector<16xf32>,
      %max3A_922 = arith.maximumf %max3A_917, %get3A_921 : vector<16xf32>
      %get3A_923 = arith.constant 19 : i32
      %get3A_924 = arith.index_cast %get3A_923 : i32 to index
      %get3A_925 = arith.constant 32 : index
      %get3A_926 = tpu.vector_load %arg23[%get3A_924, %get3A_925] {strides = array<i32>} : memref<32x64xf32, #tpu.memory_space<vmem>>, vector<16xf32>,
      %max3A_927 = arith.maximumf %max3A_922, %get3A_926 : vector<16xf32>
      %get3A_928 = arith.constant 20 : i32
      %get3A_929 = arith.index_cast %get3A_928 : i32 to index
      %get3A_930 = arith.constant 32 : index
      %get3A_931 = tpu.vector_load %arg23[%get3A_929, %get3A_930] {strides = array<i32>} : memref<32x64xf32, #tpu.memory_space<vmem>>, vector<16xf32>,
      %max3A_932 = arith.maximumf %max3A_927, %get3A_931 : vector<16xf32>
      %get3A_933 = arith.constant 21 : i32
      %get3A_934 = arith.index_cast %get3A_933 : i32 to index
      %get3A_935 = arith.constant 32 : index
      %get3A_936 = tpu.vector_load %arg23[%get3A_934, %get3A_935] {strides = array<i32>} : memref<32x64xf32, #tpu.memory_space<vmem>>, vector<16xf32>,
      %max3A_937 = arith.maximumf %max3A_932, %get3A_936 : vector<16xf32>
      %get3A_938 = arith.constant 22 : i32
      %get3A_939 = arith.index_cast %get3A_938 : i32 to index
      %get3A_940 = arith.constant 32 : index
      %get3A_941 = tpu.vector_load %arg23[%get3A_939, %get3A_940] {strides = array<i32>} : memref<32x64xf32, #tpu.memory_space<vmem>>, vector<16xf32>,
      %max3A_942 = arith.maximumf %max3A_937, %get3A_941 : vector<16xf32>
      %get3A_943 = arith.constant 23 : i32
      %get3A_944 = arith.index_cast %get3A_943 : i32 to index
      %get3A_945 = arith.constant 32 : index
      %get3A_946 = tpu.vector_load %arg23[%get3A_944, %get3A_945] {strides = array<i32>} : memref<32x64xf32, #tpu.memory_space<vmem>>, vector<16xf32>,
      %max3A_947 = arith.maximumf %max3A_942, %get3A_946 : vector<16xf32>
      %get3A_948 = arith.constant 24 : i32
      %get3A_949 = arith.index_cast %get3A_948 : i32 to index
      %get3A_950 = arith.constant 32 : index
      %get3A_951 = tpu.vector_load %arg23[%get3A_949, %get3A_950] {strides = array<i32>} : memref<32x64xf32, #tpu.memory_space<vmem>>, vector<16xf32>,
      %max3A_952 = arith.maximumf %max3A_947, %get3A_951 : vector<16xf32>
      %get3A_953 = arith.constant 25 : i32
      %get3A_954 = arith.index_cast %get3A_953 : i32 to index
      %get3A_955 = arith.constant 32 : index
      %get3A_956 = tpu.vector_load %arg23[%get3A_954, %get3A_955] {strides = array<i32>} : memref<32x64xf32, #tpu.memory_space<vmem>>, vector<16xf32>,
      %max3A_957 = arith.maximumf %max3A_952, %get3A_956 : vector<16xf32>
      %get3A_958 = arith.constant 26 : i32
      %get3A_959 = arith.index_cast %get3A_958 : i32 to index
      %get3A_960 = arith.constant 32 : index
      %get3A_961 = tpu.vector_load %arg23[%get3A_959, %get3A_960] {strides = array<i32>} : memref<32x64xf32, #tpu.memory_space<vmem>>, vector<16xf32>,
      %max3A_962 = arith.maximumf %max3A_957, %get3A_961 : vector<16xf32>
      %get3A_963 = arith.constant 27 : i32
      %get3A_964 = arith.index_cast %get3A_963 : i32 to index
      %get3A_965 = arith.constant 32 : index
      %get3A_966 = tpu.vector_load %arg23[%get3A_964, %get3A_965] {strides = array<i32>} : memref<32x64xf32, #tpu.memory_space<vmem>>, vector<16xf32>,
      %max3A_967 = arith.maximumf %max3A_962, %get3A_966 : vector<16xf32>
      %get3A_968 = arith.constant 28 : i32
      %get3A_969 = arith.index_cast %get3A_968 : i32 to index
      %get3A_970 = arith.constant 32 : index
      %get3A_971 = tpu.vector_load %arg23[%get3A_969, %get3A_970] {strides = array<i32>} : memref<32x64xf32, #tpu.memory_space<vmem>>, vector<16xf32>,
      %max3A_972 = arith.maximumf %max3A_967, %get3A_971 : vector<16xf32>
      %get3A_973 = arith.constant 29 : i32
      %get3A_974 = arith.index_cast %get3A_973 : i32 to index
      %get3A_975 = arith.constant 32 : index
      %get3A_976 = tpu.vector_load %arg23[%get3A_974, %get3A_975] {strides = array<i32>} : memref<32x64xf32, #tpu.memory_space<vmem>>, vector<16xf32>,
      %max3A_977 = arith.maximumf %max3A_972, %get3A_976 : vector<16xf32>
      %get3A_978 = arith.constant 30 : i32
      %get3A_979 = arith.index_cast %get3A_978 : i32 to index
      %get3A_980 = arith.constant 32 : index
      %get3A_981 = tpu.vector_load %arg23[%get3A_979, %get3A_980] {strides = array<i32>} : memref<32x64xf32, #tpu.memory_space<vmem>>, vector<16xf32>,
      %max3A_982 = arith.maximumf %max3A_977, %get3A_981 : vector<16xf32>
      %get3A_983 = arith.constant 31 : i32
      %get3A_984 = arith.index_cast %get3A_983 : i32 to index
      %get3A_985 = arith.constant 32 : index
      %get3A_986 = tpu.vector_load %arg23[%get3A_984, %get3A_985] {strides = array<i32>} : memref<32x64xf32, #tpu.memory_space<vmem>>, vector<16xf32>,
      %max3A_987 = arith.maximumf %max3A_982, %get3A_986 : vector<16xf32>
      %jit3A_988 = arith.constant 0.000000e+00 : f32
      %broadcast_in_dim3A_989 = vector.broadcast %jit3A_988 : f32 to vector<16xf32>
      %select_n3A_990 = arith.select %gt3A_147, %max3A_987, %broadcast_in_dim3A_989 : vector<16xi1>, vector<16xf32>
      %add3A_991 = arith.constant 64 : i32
      %add3A_992 = arith.addi %add3A_991, %mul3A_149 : i32
      %add3A_993 = arith.constant 32 : i32
      %add3A_994 = arith.addi %add3A_992, %add3A_993 : i32
      %swap3A_995 = arith.index_cast %add3A_994 : i32 to index
      %swap3A_996 = tpu.vector_load %arg24[%swap3A_995] {strides = array<i32>} : memref<8192xf32, #tpu.memory_space<vmem>>, vector<16xf32>,
      tpu.vector_store %arg24[%swap3A_995], %select_n3A_990 {strides = array<i32>} : memref<8192xf32, #tpu.memory_space<vmem>>, vector<16xf32>,
      %get3A_997 = arith.constant 0 : i32
      %get3A_998 = arith.index_cast %get3A_997 : i32 to index
      %get3A_999 = arith.constant 48 : index
      %get3A_1000 = tpu.vector_load %arg23[%get3A_998, %get3A_999] {strides = array<i32>} : memref<32x64xf32, #tpu.memory_space<vmem>>, vector<16xf32>,
      %get3A_1001 = arith.constant 1 : i32
      %get3A_1002 = arith.index_cast %get3A_1001 : i32 to index
      %get3A_1003 = arith.constant 48 : index
      %get3A_1004 = tpu.vector_load %arg23[%get3A_1002, %get3A_1003] {strides = array<i32>} : memref<32x64xf32, #tpu.memory_space<vmem>>, vector<16xf32>,
      %max3A_1005 = arith.maximumf %get3A_1000, %get3A_1004 : vector<16xf32>
      %get3A_1006 = arith.constant 2 : i32
      %get3A_1007 = arith.index_cast %get3A_1006 : i32 to index
      %get3A_1008 = arith.constant 48 : index
      %get3A_1009 = tpu.vector_load %arg23[%get3A_1007, %get3A_1008] {strides = array<i32>} : memref<32x64xf32, #tpu.memory_space<vmem>>, vector<16xf32>,
      %max3A_1010 = arith.maximumf %max3A_1005, %get3A_1009 : vector<16xf32>
      %get3A_1011 = arith.constant 3 : i32
      %get3A_1012 = arith.index_cast %get3A_1011 : i32 to index
      %get3A_1013 = arith.constant 48 : index
      %get3A_1014 = tpu.vector_load %arg23[%get3A_1012, %get3A_1013] {strides = array<i32>} : memref<32x64xf32, #tpu.memory_space<vmem>>, vector<16xf32>,
      %max3A_1015 = arith.maximumf %max3A_1010, %get3A_1014 : vector<16xf32>
      %get3A_1016 = arith.constant 4 : i32
      %get3A_1017 = arith.index_cast %get3A_1016 : i32 to index
      %get3A_1018 = arith.constant 48 : index
      %get3A_1019 = tpu.vector_load %arg23[%get3A_1017, %get3A_1018] {strides = array<i32>} : memref<32x64xf32, #tpu.memory_space<vmem>>, vector<16xf32>,
      %max3A_1020 = arith.maximumf %max3A_1015, %get3A_1019 : vector<16xf32>
      %get3A_1021 = arith.constant 5 : i32
      %get3A_1022 = arith.index_cast %get3A_1021 : i32 to index
      %get3A_1023 = arith.constant 48 : index
      %get3A_1024 = tpu.vector_load %arg23[%get3A_1022, %get3A_1023] {strides = array<i32>} : memref<32x64xf32, #tpu.memory_space<vmem>>, vector<16xf32>,
      %max3A_1025 = arith.maximumf %max3A_1020, %get3A_1024 : vector<16xf32>
      %get3A_1026 = arith.constant 6 : i32
      %get3A_1027 = arith.index_cast %get3A_1026 : i32 to index
      %get3A_1028 = arith.constant 48 : index
      %get3A_1029 = tpu.vector_load %arg23[%get3A_1027, %get3A_1028] {strides = array<i32>} : memref<32x64xf32, #tpu.memory_space<vmem>>, vector<16xf32>,
      %max3A_1030 = arith.maximumf %max3A_1025, %get3A_1029 : vector<16xf32>
      %get3A_1031 = arith.constant 7 : i32
      %get3A_1032 = arith.index_cast %get3A_1031 : i32 to index
      %get3A_1033 = arith.constant 48 : index
      %get3A_1034 = tpu.vector_load %arg23[%get3A_1032, %get3A_1033] {strides = array<i32>} : memref<32x64xf32, #tpu.memory_space<vmem>>, vector<16xf32>,
      %max3A_1035 = arith.maximumf %max3A_1030, %get3A_1034 : vector<16xf32>
      %get3A_1036 = arith.constant 8 : i32
      %get3A_1037 = arith.index_cast %get3A_1036 : i32 to index
      %get3A_1038 = arith.constant 48 : index
      %get3A_1039 = tpu.vector_load %arg23[%get3A_1037, %get3A_1038] {strides = array<i32>} : memref<32x64xf32, #tpu.memory_space<vmem>>, vector<16xf32>,
      %max3A_1040 = arith.maximumf %max3A_1035, %get3A_1039 : vector<16xf32>
      %get3A_1041 = arith.constant 9 : i32
      %get3A_1042 = arith.index_cast %get3A_1041 : i32 to index
      %get3A_1043 = arith.constant 48 : index
      %get3A_1044 = tpu.vector_load %arg23[%get3A_1042, %get3A_1043] {strides = array<i32>} : memref<32x64xf32, #tpu.memory_space<vmem>>, vector<16xf32>,
      %max3A_1045 = arith.maximumf %max3A_1040, %get3A_1044 : vector<16xf32>
      %get3A_1046 = arith.constant 10 : i32
      %get3A_1047 = arith.index_cast %get3A_1046 : i32 to index
      %get3A_1048 = arith.constant 48 : index
      %get3A_1049 = tpu.vector_load %arg23[%get3A_1047, %get3A_1048] {strides = array<i32>} : memref<32x64xf32, #tpu.memory_space<vmem>>, vector<16xf32>,
      %max3A_1050 = arith.maximumf %max3A_1045, %get3A_1049 : vector<16xf32>
      %get3A_1051 = arith.constant 11 : i32
      %get3A_1052 = arith.index_cast %get3A_1051 : i32 to index
      %get3A_1053 = arith.constant 48 : index
      %get3A_1054 = tpu.vector_load %arg23[%get3A_1052, %get3A_1053] {strides = array<i32>} : memref<32x64xf32, #tpu.memory_space<vmem>>, vector<16xf32>,
      %max3A_1055 = arith.maximumf %max3A_1050, %get3A_1054 : vector<16xf32>
      %get3A_1056 = arith.constant 12 : i32
      %get3A_1057 = arith.index_cast %get3A_1056 : i32 to index
      %get3A_1058 = arith.constant 48 : index
      %get3A_1059 = tpu.vector_load %arg23[%get3A_1057, %get3A_1058] {strides = array<i32>} : memref<32x64xf32, #tpu.memory_space<vmem>>, vector<16xf32>,
      %max3A_1060 = arith.maximumf %max3A_1055, %get3A_1059 : vector<16xf32>
      %get3A_1061 = arith.constant 13 : i32
      %get3A_1062 = arith.index_cast %get3A_1061 : i32 to index
      %get3A_1063 = arith.constant 48 : index
      %get3A_1064 = tpu.vector_load %arg23[%get3A_1062, %get3A_1063] {strides = array<i32>} : memref<32x64xf32, #tpu.memory_space<vmem>>, vector<16xf32>,
      %max3A_1065 = arith.maximumf %max3A_1060, %get3A_1064 : vector<16xf32>
      %get3A_1066 = arith.constant 14 : i32
      %get3A_1067 = arith.index_cast %get3A_1066 : i32 to index
      %get3A_1068 = arith.constant 48 : index
      %get3A_1069 = tpu.vector_load %arg23[%get3A_1067, %get3A_1068] {strides = array<i32>} : memref<32x64xf32, #tpu.memory_space<vmem>>, vector<16xf32>,
      %max3A_1070 = arith.maximumf %max3A_1065, %get3A_1069 : vector<16xf32>
      %get3A_1071 = arith.constant 15 : i32
      %get3A_1072 = arith.index_cast %get3A_1071 : i32 to index
      %get3A_1073 = arith.constant 48 : index
      %get3A_1074 = tpu.vector_load %arg23[%get3A_1072, %get3A_1073] {strides = array<i32>} : memref<32x64xf32, #tpu.memory_space<vmem>>, vector<16xf32>,
      %max3A_1075 = arith.maximumf %max3A_1070, %get3A_1074 : vector<16xf32>
      %get3A_1076 = arith.constant 16 : i32
      %get3A_1077 = arith.index_cast %get3A_1076 : i32 to index
      %get3A_1078 = arith.constant 48 : index
      %get3A_1079 = tpu.vector_load %arg23[%get3A_1077, %get3A_1078] {strides = array<i32>} : memref<32x64xf32, #tpu.memory_space<vmem>>, vector<16xf32>,
      %max3A_1080 = arith.maximumf %max3A_1075, %get3A_1079 : vector<16xf32>
      %get3A_1081 = arith.constant 17 : i32
      %get3A_1082 = arith.index_cast %get3A_1081 : i32 to index
      %get3A_1083 = arith.constant 48 : index
      %get3A_1084 = tpu.vector_load %arg23[%get3A_1082, %get3A_1083] {strides = array<i32>} : memref<32x64xf32, #tpu.memory_space<vmem>>, vector<16xf32>,
      %max3A_1085 = arith.maximumf %max3A_1080, %get3A_1084 : vector<16xf32>
      %get3A_1086 = arith.constant 18 : i32
      %get3A_1087 = arith.index_cast %get3A_1086 : i32 to index
      %get3A_1088 = arith.constant 48 : index
      %get3A_1089 = tpu.vector_load %arg23[%get3A_1087, %get3A_1088] {strides = array<i32>} : memref<32x64xf32, #tpu.memory_space<vmem>>, vector<16xf32>,
      %max3A_1090 = arith.maximumf %max3A_1085, %get3A_1089 : vector<16xf32>
      %get3A_1091 = arith.constant 19 : i32
      %get3A_1092 = arith.index_cast %get3A_1091 : i32 to index
      %get3A_1093 = arith.constant 48 : index
      %get3A_1094 = tpu.vector_load %arg23[%get3A_1092, %get3A_1093] {strides = array<i32>} : memref<32x64xf32, #tpu.memory_space<vmem>>, vector<16xf32>,
      %max3A_1095 = arith.maximumf %max3A_1090, %get3A_1094 : vector<16xf32>
      %get3A_1096 = arith.constant 20 : i32
      %get3A_1097 = arith.index_cast %get3A_1096 : i32 to index
      %get3A_1098 = arith.constant 48 : index
      %get3A_1099 = tpu.vector_load %arg23[%get3A_1097, %get3A_1098] {strides = array<i32>} : memref<32x64xf32, #tpu.memory_space<vmem>>, vector<16xf32>,
      %max3A_1100 = arith.maximumf %max3A_1095, %get3A_1099 : vector<16xf32>
      %get3A_1101 = arith.constant 21 : i32
      %get3A_1102 = arith.index_cast %get3A_1101 : i32 to index
      %get3A_1103 = arith.constant 48 : index
      %get3A_1104 = tpu.vector_load %arg23[%get3A_1102, %get3A_1103] {strides = array<i32>} : memref<32x64xf32, #tpu.memory_space<vmem>>, vector<16xf32>,
      %max3A_1105 = arith.maximumf %max3A_1100, %get3A_1104 : vector<16xf32>
      %get3A_1106 = arith.constant 22 : i32
      %get3A_1107 = arith.index_cast %get3A_1106 : i32 to index
      %get3A_1108 = arith.constant 48 : index
      %get3A_1109 = tpu.vector_load %arg23[%get3A_1107, %get3A_1108] {strides = array<i32>} : memref<32x64xf32, #tpu.memory_space<vmem>>, vector<16xf32>,
      %max3A_1110 = arith.maximumf %max3A_1105, %get3A_1109 : vector<16xf32>
      %get3A_1111 = arith.constant 23 : i32
      %get3A_1112 = arith.index_cast %get3A_1111 : i32 to index
      %get3A_1113 = arith.constant 48 : index
      %get3A_1114 = tpu.vector_load %arg23[%get3A_1112, %get3A_1113] {strides = array<i32>} : memref<32x64xf32, #tpu.memory_space<vmem>>, vector<16xf32>,
      %max3A_1115 = arith.maximumf %max3A_1110, %get3A_1114 : vector<16xf32>
      %get3A_1116 = arith.constant 24 : i32
      %get3A_1117 = arith.index_cast %get3A_1116 : i32 to index
      %get3A_1118 = arith.constant 48 : index
      %get3A_1119 = tpu.vector_load %arg23[%get3A_1117, %get3A_1118] {strides = array<i32>} : memref<32x64xf32, #tpu.memory_space<vmem>>, vector<16xf32>,
      %max3A_1120 = arith.maximumf %max3A_1115, %get3A_1119 : vector<16xf32>
      %get3A_1121 = arith.constant 25 : i32
      %get3A_1122 = arith.index_cast %get3A_1121 : i32 to index
      %get3A_1123 = arith.constant 48 : index
      %get3A_1124 = tpu.vector_load %arg23[%get3A_1122, %get3A_1123] {strides = array<i32>} : memref<32x64xf32, #tpu.memory_space<vmem>>, vector<16xf32>,
      %max3A_1125 = arith.maximumf %max3A_1120, %get3A_1124 : vector<16xf32>
      %get3A_1126 = arith.constant 26 : i32
      %get3A_1127 = arith.index_cast %get3A_1126 : i32 to index
      %get3A_1128 = arith.constant 48 : index
      %get3A_1129 = tpu.vector_load %arg23[%get3A_1127, %get3A_1128] {strides = array<i32>} : memref<32x64xf32, #tpu.memory_space<vmem>>, vector<16xf32>,
      %max3A_1130 = arith.maximumf %max3A_1125, %get3A_1129 : vector<16xf32>
      %get3A_1131 = arith.constant 27 : i32
      %get3A_1132 = arith.index_cast %get3A_1131 : i32 to index
      %get3A_1133 = arith.constant 48 : index
      %get3A_1134 = tpu.vector_load %arg23[%get3A_1132, %get3A_1133] {strides = array<i32>} : memref<32x64xf32, #tpu.memory_space<vmem>>, vector<16xf32>,
      %max3A_1135 = arith.maximumf %max3A_1130, %get3A_1134 : vector<16xf32>
      %get3A_1136 = arith.constant 28 : i32
      %get3A_1137 = arith.index_cast %get3A_1136 : i32 to index
      %get3A_1138 = arith.constant 48 : index
      %get3A_1139 = tpu.vector_load %arg23[%get3A_1137, %get3A_1138] {strides = array<i32>} : memref<32x64xf32, #tpu.memory_space<vmem>>, vector<16xf32>,
      %max3A_1140 = arith.maximumf %max3A_1135, %get3A_1139 : vector<16xf32>
      %get3A_1141 = arith.constant 29 : i32
      %get3A_1142 = arith.index_cast %get3A_1141 : i32 to index
      %get3A_1143 = arith.constant 48 : index
      %get3A_1144 = tpu.vector_load %arg23[%get3A_1142, %get3A_1143] {strides = array<i32>} : memref<32x64xf32, #tpu.memory_space<vmem>>, vector<16xf32>,
      %max3A_1145 = arith.maximumf %max3A_1140, %get3A_1144 : vector<16xf32>
      %get3A_1146 = arith.constant 30 : i32
      %get3A_1147 = arith.index_cast %get3A_1146 : i32 to index
      %get3A_1148 = arith.constant 48 : index
      %get3A_1149 = tpu.vector_load %arg23[%get3A_1147, %get3A_1148] {strides = array<i32>} : memref<32x64xf32, #tpu.memory_space<vmem>>, vector<16xf32>,
      %max3A_1150 = arith.maximumf %max3A_1145, %get3A_1149 : vector<16xf32>
      %get3A_1151 = arith.constant 31 : i32
      %get3A_1152 = arith.index_cast %get3A_1151 : i32 to index
      %get3A_1153 = arith.constant 48 : index
      %get3A_1154 = tpu.vector_load %arg23[%get3A_1152, %get3A_1153] {strides = array<i32>} : memref<32x64xf32, #tpu.memory_space<vmem>>, vector<16xf32>,
      %max3A_1155 = arith.maximumf %max3A_1150, %get3A_1154 : vector<16xf32>
      %jit3A_1156 = arith.constant 0.000000e+00 : f32
      %broadcast_in_dim3A_1157 = vector.broadcast %jit3A_1156 : f32 to vector<16xf32>
      %select_n3A_1158 = arith.select %gt3A_147, %max3A_1155, %broadcast_in_dim3A_1157 : vector<16xi1>, vector<16xf32>
      %add3A_1159 = arith.constant 64 : i32
      %add3A_1160 = arith.addi %add3A_1159, %mul3A_149 : i32
      %add3A_1161 = arith.constant 48 : i32
      %add3A_1162 = arith.addi %add3A_1160, %add3A_1161 : i32
      %swap3A_1163 = arith.index_cast %add3A_1162 : i32 to index
      %swap3A_1164 = tpu.vector_load %arg24[%swap3A_1163] {strides = array<i32>} : memref<8192xf32, #tpu.memory_space<vmem>>, vector<16xf32>,
      tpu.vector_store %arg24[%swap3A_1163], %select_n3A_1158 {strides = array<i32>} : memref<8192xf32, #tpu.memory_space<vmem>>, vector<16xf32>,
    }
    %scan3A_10 = arith.constant 64 : i32
    %mul3A_11 = arith.constant 2 : i32
    %mul3A_12 = arith.muli %mul3A_2, %mul3A_11 : i32
    %mul3A_13 = arith.constant 64 : i32
    %mul3A_14 = arith.muli %mul3A_12, %mul3A_13 : i32
    "tpu.region"() ({
      %run_scoped3A = tpu.sem_alloc : memref<!tpu.dma_semaphore, #tpu.memory_space<semaphore_mem>>
      %dma_start3A = tpu.memref_slice %arg11[%mul3A_14] : memref<262144xf32, #tpu.memory_space<hbm>> -> memref<8192xf32, #tpu.memory_space<hbm>>
      %dma_start3A_15 = tpu.memref_slice %arg11[%mul3A_14] : memref<262144xf32, #tpu.memory_space<hbm>> -> memref<8192xf32, #tpu.memory_space<hbm>>
      tpu.enqueue_dma source(%arg24 : memref<8192xf32, #tpu.memory_space<vmem>>) target(%dma_start3A_15 : memref<8192xf32, #tpu.memory_space<hbm>>) target_semaphore(%run_scoped3A : memref<!tpu.dma_semaphore, #tpu.memory_space<semaphore_mem>>)
      %dma_wait3A = tpu.memref_slice %arg11[%mul3A_14] : memref<262144xf32, #tpu.memory_space<hbm>> -> memref<8192xf32, #tpu.memory_space<hbm>>
      %dma_wait3A_16 = tpu.memref_slice %arg11[%mul3A_14] : memref<262144xf32, #tpu.memory_space<hbm>> -> memref<8192xf32, #tpu.memory_space<hbm>>
      tpu.wait_dma2 semaphore(%run_scoped3A : memref<!tpu.dma_semaphore, #tpu.memory_space<semaphore_mem>>) src(%arg24 : memref<8192xf32, #tpu.memory_space<vmem>>) dst(%dma_wait3A_16 : memref<8192xf32, #tpu.memory_space<hbm>>)
      tpu.yield
    }) : () -> ()
    return
  }
}

</mosaic_0001>

<sc_bundles>
// kernel: kernel.3.cloned.1.call-start
scs
__scs_entry_jumppad:
0x0: {  	(pc) =	sbr.rel $0x88, $3  }
0x1: {  	(tag) =	ssettag $0x0;
	lr =	simm.s32 $0x1  }
0x2: {  	[smem:$0x3F9C] =	sst lr;
	_ =	strace $0xD0000000  }
0x3: {  	_ = 	snop  }
0x4: {  	_ = 	snop  }
0x5: {  	_ = 	snop  }
0x6: {  	_ = 	snop  }
0x7: {  	_ = 	snop  }
__scs_overlays_trampoline_lowered:
0x8: {  	[smem:$0x3FAB] =	sst s0  }
0x9: {  	[smem:$0x3FAC] =	sst s1  }
0xa: {  	[smem:$0x3FAD] =	sst s2  }
0xb: {  	[smem:$0x3FAE] =	sst s3  }
0xc: {  	[smem:$0x3FAF] =	sst s4  }
0xd: {  	[smem:$0x3FB0] =	sst s5  }
0xe: {  	[smem:$0x3FB1] =	sst s6  }
0xf: {  	[smem:$0x3FB2] =	sst s7  }
0x10: {  	[smem:$0x3FB3] =	sst s8  }
0x11: {  	[smem:$0x3FB4] =	sst s9;
	s0 =	simm.s32 @!p0 $0x0  }
0x12: {  	s1 =	sld [smem:$0x3F9A];
	s0 =	simm.s32 @p0 $0x1  }
0x13: {  	[smem:$0x3FB5] =	sst s0;
	s0 =	simm.s32 @!p1 $0x0  }
0x14: {  	s2 =	sld [smem:$0x3F99];
	s0 =	simm.s32 @p1 $0x1  }
0x15: {  	[smem:$0x3FB6] =	sst s0;
	s0 =	simm.s32 @!p2 $0x0  }
0x16: {  	s3 =	sld [smem:$0x3FDB];
	s0 =	simm.s32 @p2 $0x1  }
0x17: {  	s4 =	simm.s32 $0x1BF5;
	[smem:$0x3FB8] =	sst s0  }
0x18: {  	s0 =	sld [smem:$0x3F9B];
	_ =	swait.ge [sflag:s4], $0x0  }
0x19: {  	s7 =	sld [smem:$0x3F9C]  }
0x1a: {  	s8 =	sadd.s32 $0xFFFFE003, lr  }
0x1b: {  	s9 =	sadd.s32 $0xFFFFFEF7, lr;
	s5 =	simm.s32 $0xFFFFFFFF;
	p2 =	slt.u32 s8, $0xFFFFF086  }
0x1c: {  	p1 =	slt.u32 s9, $0xF7A;
	s5 =	simm.s32 @!p2 $0x0  }
0x1d: {  	s5 =	simm.s32 @p1 $0x1;
	p0 =	seq.s32 s7, s2  }
0x1e: {  	s7 =	smul.u32 @!p0 $0xF7A, s2;
	p2 =	seq.s32 @!p0 s5, $0x0  }
0x1f: {  	s9 =	smul.u32 $0xF7A, s1;
	s8 =	simm.s32 @!p0 $0x1BF5;
	p2 =	por !p2, p0  }
0x20: {  	[sflag:s8] =	ssyncset.s32 @!p0 $0xFFFFF086;
	s6 =	sadd.s32 @!p0 s3, s7;
	s7 =	simm.s32 @!p0 $0x108  }
0x21: {  	s3 =	sadd.s32 s3, s9;
	s6 =	sadd.s32 @!p0 $0x88, s6;
	s7 =	simm.s32 @p2 $0x1082  }
0x22: {  	[simem:s7], [sflag:s8] =	dma.local @!p0 [hbm:s6], $0xF7A  }
0x23: {  	s9 =	sor.u32 $0xD0000000, s2;
	s6 =	simm.s32 $0x108;
	_ =	swait.ge @!p0 [sflag:s8], $0x0  }
0x24: {  	s3 =	sadd.s32 $0x88, s3;
	s6 =	simm.s32 @!p1 $0x1082;
	[sflag:s4] =	ssyncset.s32 $0xFFFFF086  }
0x25: {  	[simem:s6], [sflag:s4] =	dma.local [hbm:s3], $0xF7A  }
0x26: {  	[smem:$0x3F9C] =	sst s1;
	(tag) =	ssettag s2;
	_ =	strace s9  }
0x27: {  	s1 =	sld [smem:$0x3FAC]  }
0x28: {  	s2 =	sld [smem:$0x3FAD]  }
0x29: {  	s4 =	sld [smem:$0x3FAF]  }
0x2a: {  	p0 =	seq.s32 s5, $0x0;
	s5 =	sld [smem:$0x3FB0]  }
0x2b: {  	s6 =	sld [smem:$0x3FB1]  }
0x2c: {  	s7 =	sld [smem:$0x3FB2]  }
0x2d: {  	s3 =	simm.s32 $0x108;
	s8 =	sld [smem:$0x3FB3]  }
0x2e: {  	s3 =	simm.s32 @!p0 $0x1082;
	s9 =	sld [smem:$0x3FB4]  }
0x2f: {  	lr =	sadd.s32 s0, s3;
	s0 =	sld [smem:$0x3FAB]  }
0x30: {  	s3 =	sld [smem:$0x3FAE]  }
0x31: {  	[smem:$0x3FB7] =	sst s10  }
0x32: {  	s10 =	sld [smem:$0x3FB5];
	_ =	sdelay $0x3  }
0x33: {  	p0 =	seq.s32 s10, $0x1;
	s10 =	sld [smem:$0x3FB7];
	_ =	sdelay $0x3  }
0x34: {  	[smem:$0x3FB7] =	sst s10  }
0x35: {  	s10 =	sld [smem:$0x3FB6];
	_ =	sdelay $0x3  }
0x36: {  	p1 =	seq.s32 s10, $0x1;
	s10 =	sld [smem:$0x3FB7];
	_ =	sdelay $0x3  }
0x37: {  	[smem:$0x3FB7] =	sst s10  }
0x38: {  	s10 =	sld [smem:$0x3FB8]  }
0x39: {  	_ = 	snop;
	(pc) =	sbr.ind lr, $3  }
0x3a: {  	_ = 	snop  }
0x3b: {  	_ = 	snop  }
0x3c: {  	p2 =	seq.s32 s10, $0x1;
	s10 =	sld [smem:$0x3FB7]  }
0x3d: {  	_ =	shalt  }
0x3e: {  	_ =	shalt  }
0x3f: {  	_ =	shalt  }
0x40: {  	_ =	shalt  }
0x41: {  	_ =	shalt  }
0x42: {  	_ =	shalt  }
0x43: {  	_ =	shalt  }
0x44: {  	_ =	shalt  }
0x45: {  	_ =	shalt  }
0x46: {  	_ =	shalt  }
0x47: {  	_ =	shalt  }
0x48: {  	_ =	shalt  }
0x49: {  	_ =	shalt  }
0x4a: {  	_ =	shalt  }
0x4b: {  	_ =	shalt  }
0x4c: {  	_ =	shalt  }
0x4d: {  	_ =	shalt  }
0x4e: {  	_ =	shalt  }
0x4f: {  	_ =	shalt  }
0x50: {  	_ =	shalt  }
0x51: {  	_ =	shalt  }
0x52: {  	_ =	shalt  }
0x53: {  	_ =	shalt  }
0x54: {  	_ =	shalt  }
0x55: {  	_ =	shalt  }
0x56: {  	_ =	shalt  }
0x57: {  	_ =	shalt  }
0x58: {  	_ =	shalt  }
0x59: {  	_ =	shalt  }
0x5a: {  	_ =	shalt  }
0x5b: {  	_ =	shalt  }
0x5c: {  	_ =	shalt  }
0x5d: {  	_ =	shalt  }
0x5e: {  	_ =	shalt  }
0x5f: {  	_ =	shalt  }
0x60: {  	_ =	shalt  }
0x61: {  	_ =	shalt  }
0x62: {  	_ =	shalt  }
0x63: {  	_ =	shalt  }
0x64: {  	_ =	shalt  }
0x65: {  	_ =	shalt  }
0x66: {  	_ =	shalt  }
0x67: {  	_ =	shalt  }
0x68: {  	_ =	shalt  }
0x69: {  	_ =	shalt  }
0x6a: {  	_ =	shalt  }
0x6b: {  	_ =	shalt  }
0x6c: {  	_ =	shalt  }
0x6d: {  	_ =	shalt  }
0x6e: {  	_ =	shalt  }
0x6f: {  	_ =	shalt  }
0x70: {  	_ =	shalt  }
0x71: {  	_ =	shalt  }
0x72: {  	_ =	shalt  }
0x73: {  	_ =	shalt  }
0x74: {  	_ =	shalt  }
0x75: {  	_ =	shalt  }
0x76: {  	_ =	shalt  }
0x77: {  	_ =	shalt  }
0x78: {  	_ =	shalt  }
0x79: {  	_ =	shalt  }
0x7a: {  	_ =	shalt  }
0x7b: {  	_ =	shalt  }
0x7c: {  	_ =	shalt  }
0x7d: {  	_ =	shalt  }
0x7e: {  	_ =	shalt  }
0x7f: {  	_ =	shalt  }
0x80: {  	_ =	shalt  }
0x81: {  	_ =	shalt  }
0x82: {  	_ =	shalt  }
0x83: {  	_ =	shalt  }
0x84: {  	_ =	shalt  }
0x85: {  	_ =	shalt  }
0x86: {  	_ =	shalt  }
0x87: {  	_ =	shalt  }
.Lfunc_end0:
.L_simem_size_0:
called_computation_lowered:
.L_overlay_start_0:
0x88: {  	s2 =	sld [smem:$0x3FD9]  }
0x89: {  	s3 =	sld [smem:$0x3FFE];
	_ =	sdelay $0x1  }
0x8a: {  	s1 =	srdreg.scid  }
0x8b: {  	s0 =	sand.u32 $0x1, s1  }
0x8c: {  	s14 =	sshll.u32 s0, $0xA;
	s2 =	sadd.s32 s3, s2  }
0x8d: {  	s2 =	sadd.s32 s2, s14  }
0x8e: {  	[smem:$0x3FC3] =	sst s2  }
0x8f: {  	_ = 	snop  }
0x90: {  	s2 =	sld [smem:$0x3FD0];
	_ =	sdelay $0x2  }
0x91: {  	s15 =	simm.s32 $0xA;
	s4 =	simm.s32 $0x10  }
0x92: {  	[smem:s4], [sflag:s15] =	dma.local [hbm:s2], $0x1  }
0x93: {  	_ =	swait.eq [sflag:s15], $0x1  }
0x94: {  	[sflag:s15] =	ssyncset.done $0x0  }
0x95: {  	s16 =	sld [smem:$0x10];
	[sflag:s15] =	ssyncadd.s32 $0xFFFFFFFF  }
0x96: {  	s17 =	sld [smem:$0x11];
	(tm) =	ssettm $0x1  }
0x97: {  	s18 =	sld [smem:$0x3FFB];
	_ =	sdelay $0x3  }
0x98: {  	_ =	strace s18  }
0x99: {  	s4 =	sld [smem:$0x3FFC];
	_ =	sdelay $0x3  }
0x9a: {  	_ =	strace s4  }
0x9b: {  	s4 =	sld [smem:$0x3FFD];
	_ =	sdelay $0x3  }
0x9c: {  	_ =	strace s4  }
0x9d: {  	_ =	strace $0x8FFFFFFF  }
0x9e: {  	s19 =	sld [smem:$0x3FDB];
	_ =	sdelay $0x1  }
0x9f: {  	s5 =	simm.s32 $_scs_section_size  }
0xa0: {  	s6 =	simm.s32 $_size__tile_overlayer_lowered;
	s7 =	simm.s32 $_tile_overlayer_lowered  }
0xa1: {  	s22 =	simm.s32 $0x1BFF;
	s21 =	sshll.u32 s7, $0x1;
	s4 =	sadd.s32 s5, s19  }
0xa2: {  	s8 =	simm.s32 $0x0;
	s20 =	sshll.u32 s6, $0x1;
	s6 =	sadd.s32 s21, s4  }
0xa3: {  	[timem:s8], [sflag:s22] =	dma.local [hbm:s6], s20  }
0xa4: {  	_ =	swait.ge [sflag:s22], s20  }
0xa5: {  	s5 =	ssub.s32 $0x0, s20;
	[sflag:s22] =	ssyncset.done $0x0  }
0xa6: {  	[sflag:s22] =	ssyncadd.s32 s5;
	_ =	sdelay $0x1  }
0xa7: {  	s23 =	simm.s32 $0x1B8B  }
0xa8: {  	_ =	swait.ge [sflag:s23], $0x1  }
0xa9: {  	[sflag:s23] =	ssyncset.done $0x0  }
0xaa: {  	s25 =	simm.s32 $0x1B8E;
	s24 =	sld [smem:$0x3FFE];
	[sflag:s23] =	ssyncadd.s32 $0xFFFFFFFF  }
0xab: {  	s26 =	simm.s32 $execute0_lowered;
	[smem:$0x3FD2] =	sst s25  }
0xac: {  	s6 =	sshll.u32 s26, $0x1;
	_ =	strace $0x80000046;
	[dreg:$0x1] =	wrdreg $0xFFFFFFFF  }
0xad: {  	s28 =	simm.s32 $_size_execute0_lowered;
	s4 =	sadd.s32 s4, s6;
	[dreg:$0x0] =	wrdreg $0x0  }
0xae: {  	s6 =	sshll.u32 s28, $0x1;
	[dreg:$0x2] =	wrdreg s4  }
0xaf: {  	[dreg:$0x3] =	wrdreg s6  }
0xb0: {  	[dreg:$0x4] =	wrdreg $0xC0  }
0xb1: {  	_ =	task [dreg:s8], $0x5FFFF  }
0xb2: {  	[dreg:$0x1] =	wrdreg $0xFFFFFFFF  }
0xb3: {  	[dreg:$0x0] =	wrdreg $0x60  }
0xb4: {  	[dreg:$0x2] =	wrdreg s24  }
0xb5: {  	[dreg:$0x3] =	wrdreg s16  }
0xb6: {  	[dreg:$0x4] =	wrdreg s17  }
0xb7: {  	[dreg:$0x5] =	wrdreg $0x9  }
0xb8: {  	_ =	task.clear_ibuf [dreg:s8], $0x6FFFF;
	_ =	strace $0x90000046  }
0xb9: {  	s29 =	simm.s32 $0x9;
	_ =	strace $0x80000048  }
0xba: {  	_ =	swait.ge [sflag:s29], $0x1  }
0xbb: {  	[sflag:s29] =	ssyncadd.s32 $0xFFFFFFFF  }
0xbc: {  	_ =	strace $0x90000048  }
0xbd: {  	_ =	sfence  }
0xbe: {  	s30 =	sld [smem:$0x0];
	_ =	sdelay $0x2  }
0xbf: {  	s31 =	sshll.u32 s1, $0xD;
	s1 =	sshrl.u32 s1, $0x2  }
0xc0: {  	s3 =	sand.u32 $0x4000, s31;
	s1 =	sadd.s32 s1, s30  }
0xc1: {  	s0 =	sor.u32 s3, s0;
	s1 =	sshll.u32 s1, $0x11  }
0xc2: {  	s0 =	sor.u32 s1, s0  }
0xc3: {  	s0 =	sadd.s32 $0x8F2B, s0  }
0xc4: {  	[sflag:s0] =	ssyncadd.remote.s32 $0x1  }
0xc5: {  	_ =	sfence.sel $0xFFFF  }
0xc6: {  	[dreg:$0x0] =	wrdreg $0xFFFFFFFF;
	(pc) =	sbr.abs _section_cstart, $3  }
0xc7: {  	[dreg:$0x1] =	wrdreg $0xFFFFFFFF  }
0xc8: {  	_ =	task.clear_ibuf [dreg:s8], $0x2FFFF;
	_ =	strace $0x9FFFFFFF  }
0xc9: {  	(tm) =	ssettm $0x7FFFFFFF  }
tec
execute0_lowered:
.L_overlay_start_1:
0x0: {  	(tag) =	ssettag $0x1  }
0x1: {  	s0 =	rddreg [dreg:$0x0]  }
0x2: {  	s1 =	rddreg [dreg:$0x1]  }
0x3: {  	s12 =	rddreg [dreg:$0x2]  }
0x4: {  	s2 =	simm.s32 $0x0;
	s3 =	srdreg.scid;
	s4 =	stileid.u32  }
0x5: {  	s14 =	simm.s32 $0x3;
	s22 =	simm.s32 $0x1;
	s23 =	simm.s32 $0xC1A0  }
0x6: {  	s24 =	simm.s32 $0xC190;
	s28 =	simm.s32 $0x20;
	s29 =	simm.s32 $0xC5C0  }
0x7: {  	s30 =	simm.s32 $0x2;
	s31 =	simm.s32 $0xCDC0;
	[smem:$0x7FF] =	sst s2  }
0x8: {  	s5 =	sand.u32 $0x1, s3;
	s4 =	sshll.u32 s4, $0x1;
	s3 =	sadd.s32 $0x1800, s0  }
0x9: {  	s7 =	sadd.s32 $0x2400, s0;
	_ =	strace $0x80000047;
	s11 =	sor.u32 s5, s4  }
0xa: {  	s4 =	sadd.s32 $0x1000, s0;
	s8 =	ssub.s32 $0x2, s5;
	s5 =	sadd.s32 $0x800, s0  }
.Ltmp0:
0xb: {  	s10 =	sshll.u32 s11, $0x3;
	s9 =	sshrl.u32 s8, $0x1;
	(pc) =	sbr.rel .LBB2_1-.Ltmp0, $4  }
0xc: {  	s26 =	sshll.u32 s11, $0xA;
	s6 =	sadd.s32 s0, s10;
	s25 =	ssub.s32 s8, s9  }
0xd: {  	s10 =	sadd.s32 s1, s10;
	s12 =	sadd.s32 s12, s26;
	s26 =	simm.s32 $0xC1C0  }
0xe: {  	v0 =	vlaneseq.u32;
	s0 =	simm.s32 $0x0;
	s8 =	sadd.s32 $0x2200, s6;
	s9 =	sadd.s32 $0x2000, s6  }
0xf: {  	v1 =	vimm.s32 $0x0;
	v2 =	vadd.s32 $0x1, v0;
	v3 =	vadd.s32 $0x11, v0;
	s11 =	sadd.s32 $0x22400, s6;
	s13 =	smax.u32 s25, $0x1;
	s25 =	simm.s32 $0x10  }
.LBB2_7:
0x10: {  	s0 =	sadd.s32 $0x1, s0  }
0x11: {  	p0 =	sne.s32 s0, s13  }
.Ltmp1:
0x12: {  	_ = 	snop;
	(pc) =	sbr.rel @!p0 .LBB2_8-.Ltmp1, $4  }
0x13: {  	[hbm4b:s12+s2] =	stream.linear.scatter [tilespmem:s31], [sflag:$0x3], $0x2000, $0x38;
	[tilespmem:$0xEDC0] =	vst v63  }
0x14: {  	_ =	swait.ge [sflag:s14], $0x2000  }
0x15: {  	[sflag:s14] =	ssyncset.done $0x0  }
0x16: {  	[sflag:s14] =	ssyncadd.s32 $0xFFFFE000  }
.LBB2_1:
0x17: {  	[tilespmem:s2], [sflag:$0x3] =	stream.linear.gather [hbm4b:s3+s2], $0x4000, $0x38;
	[tilespmem:$0xEDC0] =	vst v63  }
0x18: {  	_ =	swait.ge [sflag:s14], $0x4000  }
0x19: {  	[sflag:s14] =	ssyncset.done $0x0  }
0x1a: {  	s1 =	simm.s32 $0x4000;
	[sflag:s14] =	ssyncadd.s32 $0xFFFFC000  }
0x1b: {  	[tilespmem:s1], [sflag:$0x3] =	stream.linear.gather [hbm4b:s4+s2], $0x4000, $0x38;
	[tilespmem:$0xEDC0] =	vst v63  }
0x1c: {  	_ =	swait.ge [sflag:s14], $0x4000  }
0x1d: {  	[sflag:s14] =	ssyncset.done $0x0  }
0x1e: {  	s16 =	simm.s32 $0x8000;
	[sflag:s14] =	ssyncadd.s32 $0xFFFFC000  }
0x1f: {  	[tilespmem:s16], [sflag:$0x3] =	stream.linear.gather [hbm4b:s5+s2], $0x4000, $0x38;
	[tilespmem:$0xEDC0] =	vst v63  }
0x20: {  	_ =	swait.ge [sflag:s14], $0x4000  }
0x21: {  	[sflag:s14] =	ssyncset.done $0x0  }
0x22: {  	s17 =	simm.s32 $0xC000;
	[sflag:s14] =	ssyncadd.s32 $0xFFFFC000  }
0x23: {  	[tilespmem:s17], [sflag:$0x3] =	stream.linear.gather [hbm4b:s8+s2], $0x40, $0x38;
	[tilespmem:$0xEDC0] =	vst v63  }
0x24: {  	_ =	swait.ge [sflag:s14], $0x40  }
0x25: {  	[sflag:s14] =	ssyncset.done $0x0  }
0x26: {  	s18 =	simm.s32 $0xC050;
	[sflag:s14] =	ssyncadd.s32 $0xFFFFFFC0  }
0x27: {  	[tilespmem:s18], [sflag:$0x3] =	stream.linear.gather [hbm4b:s9+s2], $0x40, $0x38;
	[tilespmem:$0xEDC0] =	vst v63  }
0x28: {  	_ =	swait.ge [sflag:s14], $0x40  }
0x29: {  	[sflag:s14] =	ssyncset.done $0x0  }
0x2a: {  	s19 =	simm.s32 $0xC0A0;
	[sflag:s14] =	ssyncadd.s32 $0xFFFFFFC0  }
0x2b: {  	[tilespmem:s19], [sflag:$0x3] =	stream.linear.gather [hbm4b:s10+s2], $0x40, $0x38;
	[tilespmem:$0xEDC0] =	vst v63  }
0x2c: {  	_ =	swait.ge [sflag:s14], $0x40  }
0x2d: {  	[sflag:s14] =	ssyncset.done $0x0  }
0x2e: {  	s20 =	simm.s32 $0xC0F0;
	[sflag:s14] =	ssyncadd.s32 $0xFFFFFFC0  }
0x2f: {  	[tilespmem:s20], [sflag:$0x3] =	stream.linear.gather [hbm4b:s6+s2], $0x40, $0x38;
	[tilespmem:$0xEDC0] =	vst v63  }
0x30: {  	_ =	swait.ge [sflag:s14], $0x40  }
0x31: {  	[sflag:s14] =	ssyncset.done $0x0  }
.Ltmp2:
0x32: {  	s21 =	simm.s32 $0xC140;
	[sflag:s14] =	ssyncadd.s32 $0xFFFFFFC0;
	(pc) =	sbr.rel .LBB2_2-.Ltmp2, $4  }
0x33: {  	[tilespmem:s21], [sflag:$0x3] =	stream.linear.gather [hbm4b:s11+s2], $0x40, $0x38;
	[tilespmem:$0xEDC0] =	vst v63  }
0x34: {  	_ =	swait.ge [sflag:s14], $0x40  }
0x35: {  	[sflag:s14] =	ssyncset.done $0x0  }
0x36: {  	s1 =	simm.s32 $0x0;
	[sflag:s14] =	ssyncadd.s32 $0xFFFFFFC0  }
.LBB2_5:
0x37: {  	v11 =	vpsel p0, v11, v11;
	v9 =	vpsel p0, v10, v10  }
.LBB2_6:
0x38: {  	v4 =	vld [tilespmem:$0xC190]  }
0x39: {  	v5 =	vld [tilespmem:$0xC1A0];
	_ =	sdelay $0x3  }
0x3a: {  	v7 =	vld [tilespmem:$0xC1B0];
	v6 =	vbroadcast v4, $0x0  }
0x3b: {  	vm1 =	vgt.s32 v11, $0x0;
	v8 =	vbroadcast v5, $0x0  }
0x3c: {  	vm2 =	vlt.s32 v11, v2;
	vm0 =	vgt.s32 v9, $0x0;
	v6 =	vnsel vm1, $0x0, v6  }
0x3d: {  	vm14 =	vlt.s32 v9, v2;
	v23 =	vnsel vm0, $0x0, v8;
	v4 =	vsel vm2, v6, v4  }
0x3e: {  	vm15 =	vlt.s32 v9, v3;
	[tilespmem:$0xC190] =	vst v4;
	v4 =	vsel vm14, v23, v5  }
0x3f: {  	[tilespmem:$0xC1A0] =	vst v4;
	v4 =	vsel vm15, v23, v7  }
0x40: {  	[tilespmem:$0xC1B0] =	vst v4  }
0x41: {  	[tilespmem:s26], [sflag:$0x1] =	stream.indirect.gather [hbm4b:s7+s25], $0x40, s24, s25, $0xb8;
	[tilespmem:$0xEDC0] =	vst v63  }
0x42: {  	_ = 	snop  }
0x43: {  	[tilespmem:s29], [sflag:$0x2] =	stream.indirect.gather [hbm4b:s7+s28], $0x40, s23, s28, $0xb8;
	[tilespmem:$0xEDC0] =	vst v63  }
0x44: {  	_ =	swait.ge [sflag:s22], $0x400  }
0x45: {  	[sflag:s22] =	ssyncset.done $0x0  }
0x46: {  	[sflag:s22] =	ssyncadd.s32 $0xFFFFFC00  }
0x47: {  	_ =	swait.ge [sflag:s30], $0x800  }
0x48: {  	[sflag:s30] =	ssyncset.done $0x0  }
0x49: {  	[sflag:s30] =	ssyncadd.s32 $0xFFFFF800  }
0x4a: {  	v4 =	vld [tilespmem:$0xC1C0]  }
0x4b: {  	v5 =	vld [tilespmem:$0xC200]  }
0x4c: {  	v24 =	vld [tilespmem:$0xC240]  }
0x4d: {  	v25 =	vld [tilespmem:$0xC280]  }
0x4e: {  	v26 =	vld [tilespmem:$0xC2C0]  }
0x4f: {  	v27 =	vld [tilespmem:$0xC300]  }
0x50: {  	v4 =	vmax.f32 v4, v5;
	v5 =	vld [tilespmem:$0xC340]  }
0x51: {  	v28 =	vld [tilespmem:$0xC380];
	v4 =	vmax.f32 v4, v24  }
0x52: {  	v29 =	vld [tilespmem:$0xC3C0];
	v4 =	vmax.f32 v4, v25  }
0x53: {  	v30 =	vld [tilespmem:$0xC400];
	v4 =	vmax.f32 v4, v26  }
0x54: {  	v31 =	vld [tilespmem:$0xC440];
	v4 =	vmax.f32 v4, v27  }
0x55: {  	v4 =	vmax.f32 v4, v5;
	v5 =	vld [tilespmem:$0xC480]  }
0x56: {  	v32 =	vld [tilespmem:$0xC4C0];
	v4 =	vmax.f32 v4, v28  }
0x57: {  	v33 =	vld [tilespmem:$0xC500];
	v4 =	vmax.f32 v4, v29  }
0x58: {  	v34 =	vld [tilespmem:$0xC540];
	v4 =	vmax.f32 v4, v30  }
0x59: {  	v35 =	vld [tilespmem:$0xC580];
	v4 =	vmax.f32 v4, v31  }
0x5a: {  	v4 =	vmax.f32 v4, v5  }
0x5b: {  	v4 =	vmax.f32 v4, v32  }
0x5c: {  	v4 =	vmax.f32 v4, v33  }
0x5d: {  	v4 =	vmax.f32 v4, v34  }
0x5e: {  	s15 =	sshll.u32 s1, $0x7;
	v4 =	vmax.f32 v4, v35  }
0x5f: {  	s15 =	sand.u32 $0x3FFFFF80, s15;
	v4 =	vnsel vm1, $0x0, v4  }
0x60: {  	[tilespmem:s15+$0xCDC0] =	vst v4  }
0x61: {  	v4 =	vld [tilespmem:$0xC1D0]  }
0x62: {  	v5 =	vld [tilespmem:$0xC210]  }
0x63: {  	v36 =	vld [tilespmem:$0xC250]  }
0x64: {  	v37 =	vld [tilespmem:$0xC290]  }
0x65: {  	v38 =	vld [tilespmem:$0xC2D0]  }
0x66: {  	v39 =	vld [tilespmem:$0xC310]  }
0x67: {  	v4 =	vmax.f32 v4, v5;
	v5 =	vld [tilespmem:$0xC350]  }
0x68: {  	v40 =	vld [tilespmem:$0xC390];
	v4 =	vmax.f32 v4, v36  }
0x69: {  	v41 =	vld [tilespmem:$0xC3D0];
	v4 =	vmax.f32 v4, v37  }
0x6a: {  	v42 =	vld [tilespmem:$0xC410];
	v4 =	vmax.f32 v4, v38  }
0x6b: {  	v43 =	vld [tilespmem:$0xC450];
	v4 =	vmax.f32 v4, v39  }
0x6c: {  	v4 =	vmax.f32 v4, v5;
	v5 =	vld [tilespmem:$0xC490]  }
0x6d: {  	v44 =	vld [tilespmem:$0xC4D0];
	v4 =	vmax.f32 v4, v40  }
0x6e: {  	v45 =	vld [tilespmem:$0xC510];
	v4 =	vmax.f32 v4, v41  }
0x6f: {  	v46 =	vld [tilespmem:$0xC550];
	v4 =	vmax.f32 v4, v42  }
0x70: {  	v47 =	vld [tilespmem:$0xC590];
	v4 =	vmax.f32 v4, v43  }
0x71: {  	v4 =	vmax.f32 v4, v5  }
0x72: {  	v4 =	vmax.f32 v4, v44  }
0x73: {  	v4 =	vmax.f32 v4, v45  }
0x74: {  	v4 =	vmax.f32 v4, v46  }
0x75: {  	v4 =	vmax.f32 v4, v47  }
0x76: {  	v4 =	vnsel vm1, $0x0, v4  }
0x77: {  	[tilespmem:s15+$0xCDD0] =	vst v4  }
0x78: {  	v4 =	vld [tilespmem:$0xC1E0]  }
0x79: {  	v5 =	vld [tilespmem:$0xC220]  }
0x7a: {  	v48 =	vld [tilespmem:$0xC260]  }
0x7b: {  	v49 =	vld [tilespmem:$0xC2A0]  }
0x7c: {  	v50 =	vld [tilespmem:$0xC2E0]  }
0x7d: {  	v51 =	vld [tilespmem:$0xC320]  }
0x7e: {  	v4 =	vmax.f32 v4, v5;
	v5 =	vld [tilespmem:$0xC360]  }
0x7f: {  	v52 =	vld [tilespmem:$0xC3A0];
	v4 =	vmax.f32 v4, v48  }
0x80: {  	v53 =	vld [tilespmem:$0xC3E0];
	v4 =	vmax.f32 v4, v49  }
0x81: {  	v54 =	vld [tilespmem:$0xC420];
	v4 =	vmax.f32 v4, v50  }
0x82: {  	v55 =	vld [tilespmem:$0xC460];
	v4 =	vmax.f32 v4, v51  }
0x83: {  	v4 =	vmax.f32 v4, v5;
	v5 =	vld [tilespmem:$0xC4A0]  }
0x84: {  	v56 =	vld [tilespmem:$0xC4E0];
	v4 =	vmax.f32 v4, v52  }
0x85: {  	v57 =	vld [tilespmem:$0xC520];
	v4 =	vmax.f32 v4, v53  }
0x86: {  	v58 =	vld [tilespmem:$0xC560];
	v4 =	vmax.f32 v4, v54  }
0x87: {  	v59 =	vld [tilespmem:$0xC5A0];
	v4 =	vmax.f32 v4, v55  }
0x88: {  	v4 =	vmax.f32 v4, v5  }
0x89: {  	v4 =	vmax.f32 v4, v56  }
0x8a: {  	v4 =	vmax.f32 v4, v57  }
0x8b: {  	v4 =	vmax.f32 v4, v58  }
0x8c: {  	v4 =	vmax.f32 v4, v59  }
0x8d: {  	v4 =	vnsel vm1, $0x0, v4  }
0x8e: {  	[tilespmem:s15+$0xCDE0] =	vst v4  }
0x8f: {  	v4 =	vld [tilespmem:$0xC1F0]  }
0x90: {  	v5 =	vld [tilespmem:$0xC230]  }
0x91: {  	v60 =	vld [tilespmem:$0xC270]  }
0x92: {  	v61 =	vld [tilespmem:$0xC2B0]  }
0x93: {  	v62 =	vld [tilespmem:$0xC2F0]  }
0x94: {  	v63 =	vld [tilespmem:$0xC330]  }
0x95: {  	v4 =	vmax.f32 v4, v5;
	v5 =	vld [tilespmem:$0xC370]  }
0x96: {  	v12 =	vld [tilespmem:$0xC3B0];
	v4 =	vmax.f32 v4, v60  }
0x97: {  	v13 =	vld [tilespmem:$0xC3F0];
	v4 =	vmax.f32 v4, v61  }
0x98: {  	v14 =	vld [tilespmem:$0xC430];
	v4 =	vmax.f32 v4, v62  }
0x99: {  	v15 =	vld [tilespmem:$0xC470];
	v4 =	vmax.f32 v4, v63  }
0x9a: {  	v4 =	vmax.f32 v4, v5;
	v5 =	vld [tilespmem:$0xC4B0]  }
0x9b: {  	v16 =	vld [tilespmem:$0xC4F0];
	v4 =	vmax.f32 v4, v12  }
0x9c: {  	v17 =	vld [tilespmem:$0xC530];
	v4 =	vmax.f32 v4, v13  }
0x9d: {  	v18 =	vld [tilespmem:$0xC570];
	v4 =	vmax.f32 v4, v14  }
0x9e: {  	v19 =	vld [tilespmem:$0xC5B0];
	v4 =	vmax.f32 v4, v15  }
0x9f: {  	v4 =	vmax.f32 v4, v5  }
0xa0: {  	v4 =	vmax.f32 v4, v16  }
0xa1: {  	v4 =	vmax.f32 v4, v17  }
0xa2: {  	v4 =	vmax.f32 v4, v18  }
0xa3: {  	v4 =	vmax.f32 v4, v19  }
0xa4: {  	v4 =	vnsel vm1, $0x0, v4  }
0xa5: {  	[tilespmem:s15+$0xCDF0] =	vst v4  }
0xa6: {  	v4 =	vld [tilespmem:$0xC5C0]  }
0xa7: {  	v5 =	vld [tilespmem:$0xC600]  }
0xa8: {  	v20 =	vld [tilespmem:$0xC640]  }
0xa9: {  	v21 =	vld [tilespmem:$0xC680]  }
0xaa: {  	v22 =	vld [tilespmem:$0xC6C0]  }
0xab: {  	v23 =	vld [tilespmem:$0xC700]  }
0xac: {  	v4 =	vmax.f32 v4, v5;
	v5 =	vld [tilespmem:$0xC740]  }
0xad: {  	v24 =	vld [tilespmem:$0xC780];
	v4 =	vmax.f32 v4, v20  }
0xae: {  	v25 =	vld [tilespmem:$0xC7C0];
	v4 =	vmax.f32 v4, v21  }
0xaf: {  	v26 =	vld [tilespmem:$0xC800];
	v4 =	vmax.f32 v4, v22  }
0xb0: {  	v27 =	vld [tilespmem:$0xC840];
	v4 =	vmax.f32 v4, v23  }
0xb1: {  	v4 =	vmax.f32 v4, v5;
	v5 =	vld [tilespmem:$0xC880]  }
0xb2: {  	v28 =	vld [tilespmem:$0xC8C0];
	v4 =	vmax.f32 v4, v24  }
0xb3: {  	v29 =	vld [tilespmem:$0xC900];
	v4 =	vmax.f32 v4, v25  }
0xb4: {  	v30 =	vld [tilespmem:$0xC940];
	v4 =	vmax.f32 v4, v26  }
0xb5: {  	v31 =	vld [tilespmem:$0xC980];
	v4 =	vmax.f32 v4, v27  }
0xb6: {  	v4 =	vmax.f32 v4, v5;
	v5 =	vld [tilespmem:$0xC9C0]  }
0xb7: {  	v32 =	vld [tilespmem:$0xCA00];
	v4 =	vmax.f32 v4, v28  }
0xb8: {  	v33 =	vld [tilespmem:$0xCA40];
	v4 =	vmax.f32 v4, v29  }
0xb9: {  	v34 =	vld [tilespmem:$0xCA80];
	v4 =	vmax.f32 v4, v30  }
0xba: {  	v35 =	vld [tilespmem:$0xCAC0];
	v4 =	vmax.f32 v4, v31  }
0xbb: {  	v4 =	vmax.f32 v4, v5;
	v5 =	vld [tilespmem:$0xCB00]  }
0xbc: {  	v36 =	vld [tilespmem:$0xCB40];
	v4 =	vmax.f32 v4, v32  }
0xbd: {  	v37 =	vld [tilespmem:$0xCB80];
	v4 =	vmax.f32 v4, v33  }
0xbe: {  	v38 =	vld [tilespmem:$0xCBC0];
	v4 =	vmax.f32 v4, v34  }
0xbf: {  	v39 =	vld [tilespmem:$0xCC00];
	v4 =	vmax.f32 v4, v35  }
0xc0: {  	v4 =	vmax.f32 v4, v5;
	v5 =	vld [tilespmem:$0xCC40]  }
0xc1: {  	v40 =	vld [tilespmem:$0xCC80];
	v4 =	vmax.f32 v4, v36  }
0xc2: {  	v41 =	vld [tilespmem:$0xCCC0];
	v4 =	vmax.f32 v4, v37  }
0xc3: {  	v42 =	vld [tilespmem:$0xCD00];
	v4 =	vmax.f32 v4, v38  }
0xc4: {  	v43 =	vld [tilespmem:$0xCD40];
	v4 =	vmax.f32 v4, v39  }
0xc5: {  	v4 =	vmax.f32 v4, v5;
	v5 =	vld [tilespmem:$0xCD80]  }
0xc6: {  	v4 =	vmax.f32 v4, v40  }
0xc7: {  	v4 =	vmax.f32 v4, v41  }
0xc8: {  	v4 =	vmax.f32 v4, v42  }
0xc9: {  	v4 =	vmax.f32 v4, v43  }
0xca: {  	v4 =	vmax.f32 v4, v5  }
0xcb: {  	v4 =	vnsel vm0, $0x0, v4  }
0xcc: {  	[tilespmem:s15+$0xCE00] =	vst v4  }
0xcd: {  	v4 =	vld [tilespmem:$0xC5D0]  }
0xce: {  	v5 =	vld [tilespmem:$0xC610]  }
0xcf: {  	v44 =	vld [tilespmem:$0xC650]  }
0xd0: {  	v45 =	vld [tilespmem:$0xC690]  }
0xd1: {  	v46 =	vld [tilespmem:$0xC6D0]  }
0xd2: {  	v47 =	vld [tilespmem:$0xC710]  }
0xd3: {  	v4 =	vmax.f32 v4, v5;
	v5 =	vld [tilespmem:$0xC750]  }
0xd4: {  	v48 =	vld [tilespmem:$0xC790];
	v4 =	vmax.f32 v4, v44  }
0xd5: {  	v49 =	vld [tilespmem:$0xC7D0];
	v4 =	vmax.f32 v4, v45  }
0xd6: {  	v50 =	vld [tilespmem:$0xC810];
	v4 =	vmax.f32 v4, v46  }
0xd7: {  	v51 =	vld [tilespmem:$0xC850];
	v4 =	vmax.f32 v4, v47  }
0xd8: {  	v4 =	vmax.f32 v4, v5;
	v5 =	vld [tilespmem:$0xC890]  }
0xd9: {  	v52 =	vld [tilespmem:$0xC8D0];
	v4 =	vmax.f32 v4, v48  }
0xda: {  	v53 =	vld [tilespmem:$0xC910];
	v4 =	vmax.f32 v4, v49  }
0xdb: {  	v54 =	vld [tilespmem:$0xC950];
	v4 =	vmax.f32 v4, v50  }
0xdc: {  	v55 =	vld [tilespmem:$0xC990];
	v4 =	vmax.f32 v4, v51  }
0xdd: {  	v4 =	vmax.f32 v4, v5;
	v5 =	vld [tilespmem:$0xC9D0]  }
0xde: {  	v56 =	vld [tilespmem:$0xCA10];
	v4 =	vmax.f32 v4, v52  }
0xdf: {  	v57 =	vld [tilespmem:$0xCA50];
	v4 =	vmax.f32 v4, v53  }
0xe0: {  	v58 =	vld [tilespmem:$0xCA90];
	v4 =	vmax.f32 v4, v54  }
0xe1: {  	v59 =	vld [tilespmem:$0xCAD0];
	v4 =	vmax.f32 v4, v55  }
0xe2: {  	v4 =	vmax.f32 v4, v5;
	v5 =	vld [tilespmem:$0xCB10]  }
0xe3: {  	v60 =	vld [tilespmem:$0xCB50];
	v4 =	vmax.f32 v4, v56  }
0xe4: {  	v61 =	vld [tilespmem:$0xCB90];
	v4 =	vmax.f32 v4, v57  }
0xe5: {  	v62 =	vld [tilespmem:$0xCBD0];
	v4 =	vmax.f32 v4, v58  }
0xe6: {  	v63 =	vld [tilespmem:$0xCC10];
	v4 =	vmax.f32 v4, v59  }
0xe7: {  	v4 =	vmax.f32 v4, v5;
	v5 =	vld [tilespmem:$0xCC50]  }
0xe8: {  	v12 =	vld [tilespmem:$0xCC90];
	v4 =	vmax.f32 v4, v60  }
0xe9: {  	v13 =	vld [tilespmem:$0xCCD0];
	v4 =	vmax.f32 v4, v61  }
0xea: {  	v14 =	vld [tilespmem:$0xCD10];
	v4 =	vmax.f32 v4, v62  }
0xeb: {  	v15 =	vld [tilespmem:$0xCD50];
	v4 =	vmax.f32 v4, v63  }
0xec: {  	v4 =	vmax.f32 v4, v5;
	v5 =	vld [tilespmem:$0xCD90]  }
0xed: {  	v4 =	vmax.f32 v4, v12  }
0xee: {  	v4 =	vmax.f32 v4, v13  }
0xef: {  	v4 =	vmax.f32 v4, v14  }
0xf0: {  	v4 =	vmax.f32 v4, v15  }
0xf1: {  	v4 =	vmax.f32 v4, v5  }
0xf2: {  	v4 =	vnsel vm0, $0x0, v4  }
0xf3: {  	[tilespmem:s15+$0xCE10] =	vst v4  }
0xf4: {  	v4 =	vld [tilespmem:$0xC5E0]  }
0xf5: {  	v5 =	vld [tilespmem:$0xC620]  }
0xf6: {  	v16 =	vld [tilespmem:$0xC660]  }
0xf7: {  	v17 =	vld [tilespmem:$0xC6A0]  }
0xf8: {  	v18 =	vld [tilespmem:$0xC6E0]  }
0xf9: {  	v19 =	vld [tilespmem:$0xC720]  }
0xfa: {  	v4 =	vmax.f32 v4, v5;
	v5 =	vld [tilespmem:$0xC760]  }
0xfb: {  	v20 =	vld [tilespmem:$0xC7A0];
	v4 =	vmax.f32 v4, v16  }
0xfc: {  	v21 =	vld [tilespmem:$0xC7E0];
	v4 =	vmax.f32 v4, v17  }
0xfd: {  	v22 =	vld [tilespmem:$0xC820];
	v4 =	vmax.f32 v4, v18  }
0xfe: {  	v23 =	vld [tilespmem:$0xC860];
	v4 =	vmax.f32 v4, v19  }
0xff: {  	v4 =	vmax.f32 v4, v5;
	v5 =	vld [tilespmem:$0xC8A0]  }
0x100: {  	v24 =	vld [tilespmem:$0xC8E0];
	v4 =	vmax.f32 v4, v20  }
0x101: {  	v25 =	vld [tilespmem:$0xC920];
	v4 =	vmax.f32 v4, v21  }
0x102: {  	v26 =	vld [tilespmem:$0xC960];
	v4 =	vmax.f32 v4, v22  }
0x103: {  	v27 =	vld [tilespmem:$0xC9A0];
	v4 =	vmax.f32 v4, v23  }
0x104: {  	v4 =	vmax.f32 v4, v5;
	v5 =	vld [tilespmem:$0xC9E0]  }
0x105: {  	v28 =	vld [tilespmem:$0xCA20];
	v4 =	vmax.f32 v4, v24  }
0x106: {  	v29 =	vld [tilespmem:$0xCA60];
	v4 =	vmax.f32 v4, v25  }
0x107: {  	v30 =	vld [tilespmem:$0xCAA0];
	v4 =	vmax.f32 v4, v26  }
0x108: {  	v31 =	vld [tilespmem:$0xCAE0];
	v4 =	vmax.f32 v4, v27  }
0x109: {  	v4 =	vmax.f32 v4, v5;
	v5 =	vld [tilespmem:$0xCB20]  }
0x10a: {  	v32 =	vld [tilespmem:$0xCB60];
	v4 =	vmax.f32 v4, v28  }
0x10b: {  	v33 =	vld [tilespmem:$0xCBA0];
	v4 =	vmax.f32 v4, v29  }
0x10c: {  	v34 =	vld [tilespmem:$0xCBE0];
	v4 =	vmax.f32 v4, v30  }
0x10d: {  	v35 =	vld [tilespmem:$0xCC20];
	v4 =	vmax.f32 v4, v31  }
0x10e: {  	v4 =	vmax.f32 v4, v5;
	v5 =	vld [tilespmem:$0xCC60]  }
0x10f: {  	v36 =	vld [tilespmem:$0xCCA0];
	v4 =	vmax.f32 v4, v32  }
0x110: {  	v37 =	vld [tilespmem:$0xCCE0];
	v4 =	vmax.f32 v4, v33  }
0x111: {  	v38 =	vld [tilespmem:$0xCD20];
	v4 =	vmax.f32 v4, v34  }
0x112: {  	v39 =	vld [tilespmem:$0xCD60];
	v4 =	vmax.f32 v4, v35  }
0x113: {  	v4 =	vmax.f32 v4, v5;
	v5 =	vld [tilespmem:$0xCDA0]  }
0x114: {  	v4 =	vmax.f32 v4, v36  }
0x115: {  	v4 =	vmax.f32 v4, v37  }
0x116: {  	v4 =	vmax.f32 v4, v38  }
0x117: {  	v4 =	vmax.f32 v4, v39  }
0x118: {  	v4 =	vmax.f32 v4, v5  }
0x119: {  	v4 =	vnsel vm0, $0x0, v4  }
0x11a: {  	[tilespmem:s15+$0xCE20] =	vst v4  }
0x11b: {  	v4 =	vld [tilespmem:$0xC5F0]  }
0x11c: {  	v5 =	vld [tilespmem:$0xC630]  }
0x11d: {  	v40 =	vld [tilespmem:$0xC670]  }
0x11e: {  	v41 =	vld [tilespmem:$0xC6B0]  }
0x11f: {  	v42 =	vld [tilespmem:$0xC6F0]  }
0x120: {  	v43 =	vld [tilespmem:$0xC730]  }
0x121: {  	v4 =	vmax.f32 v4, v5;
	v5 =	vld [tilespmem:$0xC770]  }
0x122: {  	v44 =	vld [tilespmem:$0xC7B0];
	v4 =	vmax.f32 v4, v40  }
0x123: {  	v45 =	vld [tilespmem:$0xC7F0];
	v4 =	vmax.f32 v4, v41  }
0x124: {  	v46 =	vld [tilespmem:$0xC830];
	v4 =	vmax.f32 v4, v42  }
0x125: {  	v47 =	vld [tilespmem:$0xC870];
	v4 =	vmax.f32 v4, v43  }
0x126: {  	v4 =	vmax.f32 v4, v5;
	v5 =	vld [tilespmem:$0xC8B0]  }
0x127: {  	v48 =	vld [tilespmem:$0xC8F0];
	v4 =	vmax.f32 v4, v44  }
0x128: {  	v49 =	vld [tilespmem:$0xC930];
	v4 =	vmax.f32 v4, v45  }
0x129: {  	v50 =	vld [tilespmem:$0xC970];
	v4 =	vmax.f32 v4, v46  }
0x12a: {  	v51 =	vld [tilespmem:$0xC9B0];
	v4 =	vmax.f32 v4, v47  }
0x12b: {  	v4 =	vmax.f32 v4, v5;
	v5 =	vld [tilespmem:$0xC9F0]  }
0x12c: {  	v52 =	vld [tilespmem:$0xCA30];
	v4 =	vmax.f32 v4, v48  }
0x12d: {  	v53 =	vld [tilespmem:$0xCA70];
	v4 =	vmax.f32 v4, v49  }
0x12e: {  	v54 =	vld [tilespmem:$0xCAB0];
	v4 =	vmax.f32 v4, v50  }
0x12f: {  	v55 =	vld [tilespmem:$0xCAF0];
	v4 =	vmax.f32 v4, v51  }
0x130: {  	v4 =	vmax.f32 v4, v5;
	v5 =	vld [tilespmem:$0xCB30]  }
0x131: {  	v56 =	vld [tilespmem:$0xCB70];
	v4 =	vmax.f32 v4, v52  }
0x132: {  	v57 =	vld [tilespmem:$0xCBB0];
	v4 =	vmax.f32 v4, v53  }
0x133: {  	v58 =	vld [tilespmem:$0xCBF0];
	v4 =	vmax.f32 v4, v54  }
0x134: {  	v59 =	vld [tilespmem:$0xCC30];
	v4 =	vmax.f32 v4, v55  }
0x135: {  	v4 =	vmax.f32 v4, v5;
	v5 =	vld [tilespmem:$0xCC70]  }
0x136: {  	v60 =	vld [tilespmem:$0xCCB0];
	v4 =	vmax.f32 v4, v56  }
0x137: {  	v61 =	vld [tilespmem:$0xCCF0];
	v4 =	vmax.f32 v4, v57  }
0x138: {  	v62 =	vld [tilespmem:$0xCD30];
	v4 =	vmax.f32 v4, v58  }
0x139: {  	v63 =	vld [tilespmem:$0xCD70];
	v4 =	vmax.f32 v4, v59  }
0x13a: {  	v4 =	vmax.f32 v4, v5;
	v5 =	vld [tilespmem:$0xCDB0]  }
0x13b: {  	s1 =	sadd.s32 $0x1, s1;
	v4 =	vmax.f32 v4, v60  }
0x13c: {  	p0 =	sne.s32 s1, $0x40;
	v4 =	vmax.f32 v4, v61  }
.Ltmp3:
0x13d: {  	v4 =	vmax.f32 v4, v62;
	(pc) =	sbr.rel @!p0 .LBB2_7-.Ltmp3, $4  }
0x13e: {  	v4 =	vmax.f32 v4, v63  }
0x13f: {  	v4 =	vmax.f32 v4, v5  }
0x140: {  	v4 =	vnsel vm0, $0x0, v4  }
0x141: {  	[tilespmem:s15+$0xCE30] =	vst v4  }
.LBB2_2:
0x142: {  	v7 =	vld [tilespmem:s1+$0xC0F0]  }
0x143: {  	v8 =	vld [tilespmem:s1+$0xC140];
	_ =	sdelay $0x3  }
0x144: {  	(v2sf) =	vpush v7, $0x0  }
0x145: {  	(v2sf) =	vpush v8, $0x0;
	_ =	sdelay $0xd  }
0x146: {  	s15 =	spop (v2sf)  }
0x147: {  	s16 =	spop (v2sf);
	s17 =	sshra.s32 s15, $0x1F;
	s18 =	sand.u32 $0xF, s15  }
0x148: {  	p0 =	slt.s32 s15, $0x1;
	s17 =	sshrl.u32 s17, $0x1C;
	p1 =	sne.s32 s18, $0x0  }
0x149: {  	s19 =	sadd.s32 $0xF, s16;
	s15 =	sadd.s32 s17, s15;
	p0 =	por !p0, !p1  }
0x14a: {  	s20 =	sand.u32 $0xF, s19;
	s21 =	sshra.s32 s19, $0x1F;
	p6 =	slt.s32 s19, $0x1  }
0x14b: {  	s16 =	sshra.s32 s15, $0x4;
	p0 =	por !p0, !p0;
	p2 =	sne.s32 s20, $0x0  }
0x14c: {  	s15 =	simm.s32 $0x1;
	s18 =	sshrl.u32 s21, $0x1C;
	p1 =	por !p6, !p2  }
0x14d: {  	s17 =	sadd.s32 s18, s19;
	s18 =	simm.s32 $0x1;
	p1 =	por !p1, !p1  }
0x14e: {  	s15 =	simm.s32 @!p0 $0x0;
	s19 =	sshra.s32 s17, $0x4;
	s18 =	simm.s32 @!p1 $0x0  }
0x14f: {  	s17 =	ssub.s32 s16, s15;
	s15 =	ssub.s32 s19, s18  }
0x150: {  	p1 =	sge.s32 s17, s15  }
.Ltmp4:
0x151: {  	_ = 	snop;
	(pc) =	sbr.rel @p1 .LBB2_6-.Ltmp4, $4  }
0x152: {  	_ = 	snop  }
0x153: {  	v4 =	vld.msk [tilespmem:s1+$0xC000 ss:$0x0], $0xffff  }
0x154: {  	v5 =	vld.msk [tilespmem:s1+$0xC050 ss:$0x0], $0xffff  }
0x155: {  	v6 =	vld.msk [tilespmem:s1+$0xC0A0 ss:$0x0], $0xffff;
	v11 =	vimm.s32 $0x0;
	v9 =	vimm.s32 $0x0  }
0x156: {  	s18 =	simm.s32 $0xFFFFFFFF  }
0x157: {  	s19 =	sshll.u32 s17, $0x6;
	s18 =	simm.s32 @!p0 $0x0  }
0x158: {  	v7 =	vbroadcast v7, $0x0;
	v8 =	vbroadcast v8, $0x0;
	s21 =	sshll.u32 s17, $0x4;
	s18 =	sadd.s32 s18, s16;
	s16 =	sshra.s32 s19, $0x2  }
0x159: {  	v10 =	vimm.s32 $0x0;
	v11 =	vimm.s32 $0x0;
	v9 =	vor.u32 s21, v0;
	s17 =	sadd.s32 $0x1, s18;
	s18 =	sadd.s32 $0x4000, s16;
	s19 =	sadd.s32 $0x8000, s16  }
.LBB2_4:
0x15a: {  	v12 =	vld [tilespmem:s16+$0x0]  }
0x15b: {  	v13 =	vld [tilespmem:s18+$0x0];
	_ =	sdelay $0x1  }
0x15c: {  	v14 =	vld [tilespmem:s19+$0x0];
	_ =	sdelay $0x2  }
0x15d: {  	v12 =	vsub.f32 v12, v4;
	v13 =	vsub.f32 v13, v5;
	_ =	sdelay $0x1  }
0x15e: {  	v14 =	vsub.f32 v14, v6;
	v12 =	vmul.f32 v12, v12;
	v13 =	vmul.f32 v13, v13;
	_ =	sdelay $0x1  }
0x15f: {  	v58 =	vmul.f32 v14, v14;
	v12 =	vadd.f32 v13, v12;
	_ =	sdelay $0x1  }
0x160: {  	v12 =	vadd.f32 v58, v12  }
0x161: {  	vm0 =	vge.s32 v9, v7;
	vm1 =	vlt.s32 v9, v8  }
0x162: {  	vm0 =	vmand vm0, vm1;
	vm13 =	vlt.f32 v12, $2.559999940e-02  }
0x163: {  	vm2 =	vlt.f32 v12, $6.399999840e-03;
	vm1 =	vmand vm0, vm13  }
0x164: {  	vm0 =	vmand vm0, vm2;
	v59 =	vsel vm1, $0x1, v1  }
0x165: {  	v60 =	vsel vm0, $0x1, v1;
	(xrf0) =	vadd.scan.msk.s32 $0xffff, v59  }
0x166: {  	(xrf0) =	vadd.scan.msk.s32 $0xffff, v60;
	_ =	sdelay $0x4  }
0x167: {  	v63 =	vmpcnt.ones.xlane vm0;
	v61, _, _ =	vpop (xrf0)  }
0x168: {  	v15 =	vmpcnt.ones.xlane vm1;
	v62, _, _ =	vpop (xrf0)  }
0x169: {  	v13 =	vadd.s32 v62, v11;
	v11 =	vadd.s32 v11, v63  }
0x16a: {  	v12 =	vadd.s32 v61, v10;
	v10 =	vadd.s32 v10, v15;
	(v2sf) =	vpush v11, $0x0  }
0x16b: {  	(v2sf) =	vpush v10, $0x0;
	_ =	sdelay $0xd  }
0x16c: {  	v12 =	vadd.s32 $0xFFFFFFFF, v12;
	s20 =	spop (v2sf)  }
0x16d: {  	v13 =	vadd.s32 $0xFFFFFFFF, v13;
	vm14 =	vlt.s32 v12, $0x20;
	s21 =	spop (v2sf)  }
0x16e: {  	vm1 =	vmand vm1, vm14;
	vm15 =	vlt.s32 v13, $0x10;
	p1 =	slt.s32 s20, $0x10;
	p2 =	slt.s32 s21, $0x20  }
0x16f: {  	p0 =	sge.s32 s17, s15;
	vm0 =	vmand vm0, vm15;
	p1 =	por p1, p2  }
0x170: {  	p1 =	por p0, !p1  }
.Ltmp5:
0x171: {  	_ = 	snop;
	(pc) =	sbr.rel @!p1 .LBB2_4-.Ltmp5, $3  }
0x172: {  	_ =	sdelay $0x1  }
0x173: {  	s17 =	sadd.s32 $0x1, s17;
	[tilespmem:v12+s23+$0x0] =	vst.idx.msk vm1, v9  }
0x174: {  	s16 =	sadd.s32 $0x10, s16;
	s18 =	sadd.s32 $0x10, s18;
	s19 =	sadd.s32 $0x10, s19;
	[tilespmem:v13+s24+$0x0] =	vst.idx.msk vm0, v9;
	v9 =	vadd.s32 $0x10, v9  }
.Ltmp6:
0x175: {  	_ = 	snop;
	(pc) =	sbr.rel .LBB2_5-.Ltmp6, $1  }
0x176: {  	_ =	sdelay $0x3  }
.LBB2_8:
0x177: {  	_ =	sfence.sel $0x180000  }
0x178: {  	[bflag:$0x0] =	sbarrier.arrive $0xFFFF  }
0x179: {  	_ =	strace $0x90000047  }
0x17a: {  	s0 =	stileid.u32;
	[bflag:$0x2] =	sbarrier.arrive $0xFFFF  }
0x17b: {  	p0 =	sne.s32 s0, $0x0;
	s0 =	rddreg [dreg:$0x3]  }
0x17c: {  	s0 =	sadd.s32 @!p0 $0x100000, s0  }
0x17d: {  	[sflag:s0] =	ssyncadd.tile.s32 @!p0 $0x1;
	_ =	shalt  }
.Lfunc_end2:
_tile_overlayer_lowered:
.L_overlay_start_2:
0x17e: {  	(tag) =	ssettag $0x2  }
0x17f: {  	s0 =	rddreg [dreg:$0x0];
	s2 =	stileid.u32  }
0x180: {  	s1 =	rddreg [dreg:$0x1];
	p0 =	sne.s32 s2, $0x0  }
0x181: {  	s3 =	rddreg [dreg:$0x2];
	[bflag:$0x3] =	sbarrier.arrive $0xFFFF;
	s2 =	simm.s32 @!p0 $0x1C03  }
0x182: {  	[timem:s3], [sflag:s2] =	dma.local @!p0 [hbm:s0], s1  }
0x183: {  	s0 =	simm.s32 @!p0 $0x3  }
0x184: {  	_ =	swait.ge @!p0 [sflag:s0], s1  }
0x185: {  	s1 =	ssub.s32 @!p0 $0x0, s1;
	[sflag:s0] =	ssyncset.done @!p0 $0x0  }
0x186: {  	[sflag:s0] =	ssyncadd.s32 @!p0 s1  }
0x187: {  	[bflag:$0x3] =	sbarrier.arrive $0xFFFF  }
0x188: {  	_ =	shalt  }

</sc_bundles>
